<compile_context>
chip_gen: v7x
topology: tpu7x:2x2x1
jax: 0.10.2.dev20260603
libtpu: 0.0.44.dev20260713+nightly
codegen_flags: <defaults>
</compile_context>

<pallas_src>
import functools

import jax
import jax.numpy as jnp
from jax import lax
from jax.experimental import pallas as pl
from jax.experimental.pallas import tpu as pltpu
from jax.experimental.pallas import tpu_sc as plsc

N = 10000
E = 320000
D = 128

NC = 2
NS = 16
NW = NC * NS
E_PER_W = E // NW
CHUNK = 80
N_CHUNKS = E_PER_W // CHUNK
RING = 3
AHEAD = 2
N_MAIN = N_CHUNKS - (N_CHUNKS % RING)
N_OUTER = N_MAIN // RING
N_PAD = 10240
ROWS_PER_TILE = N_PAD // NS


def _sc_aggregate(xb, src, dst, zeros_tile):
    mesh = plsc.VectorSubcoreMesh(core_axis_name="c", subcore_axis_name="s")

    @functools.partial(
        pl.kernel,
        out_type=jax.ShapeDtypeStruct((NC, N_PAD, D), jnp.float32),
        mesh=mesh,
        scratch_types=[
            pltpu.VMEM_SHARED((N_PAD, D), jnp.float32),
            pltpu.VMEM((E_PER_W,), jnp.int32),
            pltpu.VMEM((RING, CHUNK), jnp.int32),
            pltpu.VMEM((RING, CHUNK, D), jnp.float32),
            pltpu.SemaphoreType.DMA((RING,)),
            pltpu.SemaphoreType.DMA((RING,)),
            pltpu.SemaphoreType.DMA((RING,)),
        ],
    )
    def k(x_hbm, src_hbm, dst_hbm, z_hbm, out_hbm,
          acc, src_v, dst_v, rows_v, gsem, ssem, dsem):
        c = lax.axis_index("c")
        s = lax.axis_index("s")
        wid = s * NC + c
        base = wid * E_PER_W

        def goff(g):
            return pl.multiple_of(g * CHUNK, 8)

        def gather_start(g, b):
            idx = src_v.at[pl.ds(goff(g), CHUNK)]
            pltpu.async_copy(x_hbm.at[idx], rows_v.at[b], gsem.at[b])

        def gather_wait(b):
            idx = src_v.at[pl.ds(0, CHUNK)]
            pltpu.make_async_copy(x_hbm.at[idx], rows_v.at[b], gsem.at[b]).wait()

        def dst_start(g, b):
            pltpu.async_copy(dst_hbm.at[pl.ds(base + goff(g), CHUNK)],
                             dst_v.at[b], dsem.at[b])

        def dst_wait(b):
            pltpu.make_async_copy(dst_hbm.at[pl.ds(base, CHUNK)],
                                  dst_v.at[b], dsem.at[b]).wait()

        def scatter_start(b):
            pltpu.async_copy(rows_v.at[b], acc.at[dst_v.at[b]], ssem.at[b],
                             add=True)

        def scatter_wait(b):
            pltpu.make_async_copy(rows_v.at[b], acc.at[dst_v.at[b]],
                                  ssem.at[b]).wait()

        pltpu.sync_copy(src_hbm.at[pl.ds(base, E_PER_W)], src_v)
        for g in range(AHEAD):
            dst_start(g, g)
            gather_start(g, g)
        pltpu.sync_copy(z_hbm, acc.at[pl.ds(s * ROWS_PER_TILE, ROWS_PER_TILE)])
        plsc.subcore_barrier()

        def step(g, b):
            b2 = (b + AHEAD) % RING
            gather_wait(b)
            dst_wait(b)
            scatter_start(b)

            @pl.when(g >= RING - AHEAD)
            def _():
                scatter_wait(b2)

            @pl.when(g + AHEAD < N_CHUNKS)
            def _():
                dst_start(g + AHEAD, b2)
                gather_start(g + AHEAD, b2)

        def body(i, _):
            for b in range(RING):
                step(i * RING + b, b)
            return ()

        lax.fori_loop(0, N_OUTER, body, ())

        for g in range(N_MAIN, N_CHUNKS):
            step(g, g % RING)

        for g in range(N_CHUNKS - (RING - AHEAD), N_CHUNKS):
            scatter_wait(g % RING)

        plsc.subcore_barrier()

        pltpu.sync_copy(
            acc.at[pl.ds(s * ROWS_PER_TILE, ROWS_PER_TILE)],
            out_hbm.at[c, pl.ds(s * ROWS_PER_TILE, ROWS_PER_TILE)],
        )

    return k(xb, src, dst, zeros_tile)


def _tc_epilogue(x, partials, W1, W2, b):
    BLK = 400

    def body(x_ref, p_ref, w1_ref, w2_ref, b_ref, o_ref):
        dn = (((1,), (1,)), ((), ()))
        agg = p_ref[0] + p_ref[1]
        o_ref[...] = (
            lax.dot_general(x_ref[...], w1_ref[...], dn,
                            preferred_element_type=jnp.float32)
            + lax.dot_general(agg, w2_ref[...], dn,
                              preferred_element_type=jnp.float32)
            + b_ref[...]
        )

    return pl.pallas_call(
        body,
        grid=(N // BLK,),
        in_specs=[
            pl.BlockSpec((BLK, D), lambda i: (i, 0)),
            pl.BlockSpec((NC, BLK, D), lambda i: (0, i, 0)),
            pl.BlockSpec((D, D), lambda i: (0, 0)),
            pl.BlockSpec((D, D), lambda i: (0, 0)),
            pl.BlockSpec((1, D), lambda i: (0, 0)),
        ],
        out_specs=pl.BlockSpec((BLK, D), lambda i: (i, 0)),
        out_shape=jax.ShapeDtypeStruct((N, D), jnp.float32),
    )(x, partials, W1, W2, b)


def kernel(shape_features, edge_index, W1, b1, W2, b2):
    edge_i32 = edge_index.astype(jnp.int32)
    src, dst = edge_i32[0], edge_i32[1]
    zeros_tile = jnp.zeros((ROWS_PER_TILE, D), jnp.float32)
    partials = _sc_aggregate(shape_features, src, dst, zeros_tile)
    return _tc_epilogue(shape_features, partials, W1, W2,
                        (b1 + b2).reshape(1, D))

# --- scband reference (transcript-rebuilt; emitter-appended) ---
"""Pipeline reference for scband-graph-convolution-43602507989463 (READ-ONLY COPY).

The authoritative reference and input builder live on the scoring server;
editing this copy changes nothing except your own understanding.
"""

import jax, jax.numpy as jnp
import numpy as np

N_NODES = 10000
N_EDGES = 320000
D_IN = 128
D_OUT = 128


def setup_inputs(seed: int = 0) -> dict:
    key = jax.random.key(seed)
    k1, k2, k3, k4, k5, k6 = jax.random.split(key, 6)
    shape_features = jax.random.normal(k1, (N_NODES, D_IN), dtype=jnp.float32)
    edge_index = jax.random.randint(k2, (2, N_EDGES), 0, N_NODES, dtype=jnp.int64)
    # Learned parameters for the two Linear layers (inputDim=128, outputDim=128).
    # Original code inits them to zero; we use small random values so the
    # computation is numerically non-trivial while mathematically identical.
    bound = 1.0 / np.sqrt(D_IN)
    W1 = jax.random.uniform(k3, (D_OUT, D_IN), minval=-bound, maxval=bound, dtype=jnp.float32)
    b1 = jax.random.uniform(k4, (D_OUT,), minval=-bound, maxval=bound, dtype=jnp.float32)
    W2 = jax.random.uniform(k5, (D_OUT, D_IN), minval=-bound, maxval=bound, dtype=jnp.float32)
    b2 = jax.random.uniform(k6, (D_OUT,), minval=-bound, maxval=bound, dtype=jnp.float32)
    return {"shape_features": shape_features, "edge_index": edge_index,
            "W1": W1, "b1": b1, "W2": W2, "b2": b2}


def reference(shape_features, edge_index, W1, b1, W2, b2):
    # linear1(shape_features)
    out1 = shape_features @ W1.T + b1
    # Neighbor sum-aggregation: for node i, sum of features of its neighbors.
    # neighbours list-of-sets is encoded as edge_index: row 0 = neighbor (src),
    # row 1 = the node being aggregated into (dst).
    src = edge_index[0]
    dst = edge_index[1]
    gathered = jnp.take(shape_features, src, axis=0)          # gather  [E, d]
    aggr = jax.ops.segment_sum(gathered, dst, num_segments=shape_features.shape[0])  # scatter-add [N, d]
    # linear2(aggregated) + linear1(x)
    out = out1 + (aggr @ W2.T + b2)
    return out

if __name__ == "__main__":
    import jax
    _d = setup_inputs()
    print(jax.jit(kernel)(*tuple(_d.values())))

</pallas_src>

<mosaic_0001>
#map = affine_map<(d0, d1) -> (0, 0)>
#map1 = affine_map<(d0, d1) -> (0)>
#map2 = affine_map<(d0, d1) -> (0, 0, 0)>
module attributes {stable_mosaic.version = 14 : i64} {
  func.func @k(%arg0: i32, %arg1: i32, %arg2: memref<10000x128xf32, #tpu.memory_space<hbm>>, %arg3: memref<320000xi32, #tpu.memory_space<hbm>>, %arg4: memref<320000xi32, #tpu.memory_space<hbm>>, %arg5: memref<640x128xf32, #tpu.memory_space<hbm>>, %arg6: memref<2x10240x128xf32, #tpu.memory_space<hbm>>, %arg7: memref<10240x128xf32, #tpu.memory_space<vmem_shared>>, %arg8: memref<10000xi32, #tpu.memory_space<vmem>>, %arg9: memref<3x80xi32, #tpu.memory_space<vmem>>, %arg10: memref<3x80x128xf32, #tpu.memory_space<vmem>>, %arg11: memref<3x!tpu.dma_semaphore, #tpu.memory_space<semaphore_mem>>, %arg12: memref<3x!tpu.dma_semaphore, #tpu.memory_space<semaphore_mem>>, %arg13: memref<3x!tpu.dma_semaphore, #tpu.memory_space<semaphore_mem>>) attributes {dimension_semantics = [#tpu.dimension_semantics<core_parallel>, #tpu.dimension_semantics<subcore_parallel>], iteration_bounds = array<i64: 2, 16>, scalar_prefetch = 0 : i64, scratch_operands = 7 : i64, tpu.core_type = #tpu.core_type<sc_vector_subcore>, window_params = [{transform_indices = #map}, {transform_indices = #map1}, {transform_indices = #map1}, {transform_indices = #map}, {transform_indices = #map2}]} {
    %mul3A = arith.constant 2 : i32
    %mul3A_0 = arith.muli %arg1, %mul3A : i32
    %add3A = arith.addi %mul3A_0, %arg0 : i32
    %mul3A_1 = arith.constant 10000 : i32
    %mul3A_2 = arith.muli %add3A, %mul3A_1 : i32
    "tpu.region"() ({
      %run_scoped3A = tpu.sem_alloc : memref<!tpu.dma_semaphore, #tpu.memory_space<semaphore_mem>>
      %dma_start3A_194 = tpu.memref_slice %arg3[%mul3A_2] : memref<320000xi32, #tpu.memory_space<hbm>> -> memref<10000xi32, #tpu.memory_space<hbm>>
      %dma_start3A_195 = tpu.memref_slice %arg3[%mul3A_2] : memref<320000xi32, #tpu.memory_space<hbm>> -> memref<10000xi32, #tpu.memory_space<hbm>>
      tpu.enqueue_dma source(%dma_start3A_195 : memref<10000xi32, #tpu.memory_space<hbm>>) target(%arg8 : memref<10000xi32, #tpu.memory_space<vmem>>) target_semaphore(%run_scoped3A : memref<!tpu.dma_semaphore, #tpu.memory_space<semaphore_mem>>)
      %dma_wait3A_196 = tpu.memref_slice %arg3[%mul3A_2] : memref<320000xi32, #tpu.memory_space<hbm>> -> memref<10000xi32, #tpu.memory_space<hbm>>
      %dma_wait3A_197 = tpu.memref_slice %arg3[%mul3A_2] : memref<320000xi32, #tpu.memory_space<hbm>> -> memref<10000xi32, #tpu.memory_space<hbm>>
      tpu.wait_dma2 semaphore(%run_scoped3A : memref<!tpu.dma_semaphore, #tpu.memory_space<semaphore_mem>>) src(%dma_wait3A_197 : memref<10000xi32, #tpu.memory_space<hbm>>) dst(%arg8 : memref<10000xi32, #tpu.memory_space<vmem>>)
      tpu.yield
    }) : () -> ()
    %multiple_of3A = arith.constant 0 : i32
    %multiple_of3A_3 = tpu.assume_multiple %multiple_of3A, 8 : i32
    %add3A_4 = arith.addi %mul3A_2, %multiple_of3A_3 : i32
    %dma_start3A = arith.constant 0 : i32
    %dma_start3A_5 = arith.constant 0 : i32
    %dma_start3A_6 = arith.constant 0 : i32
    %dma_start3A_7 = tpu.memref_slice %arg9[%dma_start3A, %dma_start3A_6] : memref<3x80xi32, #tpu.memory_space<vmem>> -> memref<1x80xi32, #tpu.memory_space<vmem>>
    %dma_start3A_8 = tpu.memref_squeeze %dma_start3A_7 : memref<1x80xi32, #tpu.memory_space<vmem>> -> memref<80xi32, #tpu.memory_space<vmem>>
    %dma_start3A_9 = tpu.memref_slice %arg4[%add3A_4] : memref<320000xi32, #tpu.memory_space<hbm>> -> memref<80xi32, #tpu.memory_space<hbm>>
    %dma_start3A_10 = tpu.memref_slice %arg13[%dma_start3A_5] : memref<3x!tpu.dma_semaphore, #tpu.memory_space<semaphore_mem>> -> memref<1x!tpu.dma_semaphore, #tpu.memory_space<semaphore_mem>>
    %dma_start3A_11 = tpu.memref_squeeze %dma_start3A_10 : memref<1x!tpu.dma_semaphore, #tpu.memory_space<semaphore_mem>> -> memref<!tpu.dma_semaphore, #tpu.memory_space<semaphore_mem>>
    %dma_start3A_12 = arith.constant 0 : i32
    %dma_start3A_13 = tpu.memref_slice %arg9[%dma_start3A, %dma_start3A_12] : memref<3x80xi32, #tpu.memory_space<vmem>> -> memref<1x80xi32, #tpu.memory_space<vmem>>
    %dma_start3A_14 = tpu.memref_squeeze %dma_start3A_13 : memref<1x80xi32, #tpu.memory_space<vmem>> -> memref<80xi32, #tpu.memory_space<vmem>>
    %dma_start3A_15 = tpu.memref_slice %arg4[%add3A_4] : memref<320000xi32, #tpu.memory_space<hbm>> -> memref<80xi32, #tpu.memory_space<hbm>>
    tpu.enqueue_dma source(%dma_start3A_15 : memref<80xi32, #tpu.memory_space<hbm>>) target(%dma_start3A_14 : memref<80xi32, #tpu.memory_space<vmem>>) target_semaphore(%dma_start3A_11 : memref<!tpu.dma_semaphore, #tpu.memory_space<semaphore_mem>>)
    %multiple_of3A_16 = arith.constant 0 : i32
    %multiple_of3A_17 = tpu.assume_multiple %multiple_of3A_16, 8 : i32
    %dma_start3A_18 = arith.constant 0 : i32
    %dma_start3A_19 = arith.constant 0 : i32
    %dma_start3A_20 = arith.constant 0 : i32
    %dma_start3A_21 = arith.constant 0 : i32
    %dma_start3A_22 = tpu.memref_slice %arg10[%dma_start3A_18, %dma_start3A_20, %dma_start3A_21] : memref<3x80x128xf32, #tpu.memory_space<vmem>> -> memref<1x80x128xf32, #tpu.memory_space<vmem>>
    %dma_start3A_23 = tpu.memref_squeeze %dma_start3A_22 : memref<1x80x128xf32, #tpu.memory_space<vmem>> -> memref<80x128xf32, #tpu.memory_space<vmem>>
    %dma_start3A_24 = tpu.memref_slice %arg8[%multiple_of3A_17] : memref<10000xi32, #tpu.memory_space<vmem>> -> memref<80xi32, #tpu.memory_space<vmem>>
    %dma_start3A_25 = arith.constant 0 : i32
    %dma_start3A_26 = arith.constant 0 : i32
    %dma_start3A_27 = tpu.memref_slice %arg2[%dma_start3A_25, %dma_start3A_26] : memref<10000x128xf32, #tpu.memory_space<hbm>> -> memref<10000x128xf32, #tpu.memory_space<hbm>>
    %dma_start3A_28 = tpu.memref_slice %arg11[%dma_start3A_19] : memref<3x!tpu.dma_semaphore, #tpu.memory_space<semaphore_mem>> -> memref<1x!tpu.dma_semaphore, #tpu.memory_space<semaphore_mem>>
    %dma_start3A_29 = tpu.memref_squeeze %dma_start3A_28 : memref<1x!tpu.dma_semaphore, #tpu.memory_space<semaphore_mem>> -> memref<!tpu.dma_semaphore, #tpu.memory_space<semaphore_mem>>
    tpu.enqueue_indirect_dma source(%dma_start3A_27 : memref<10000x128xf32, #tpu.memory_space<hbm>>) target(%dma_start3A_23 : memref<80x128xf32, #tpu.memory_space<vmem>>) offsets(%dma_start3A_24 : memref<80xi32, #tpu.memory_space<vmem>>) semaphore(%dma_start3A_29 : memref<!tpu.dma_semaphore, #tpu.memory_space<semaphore_mem>>)
    %multiple_of3A_30 = arith.constant 80 : i32
    %multiple_of3A_31 = tpu.assume_multiple %multiple_of3A_30, 8 : i32
    %add3A_32 = arith.addi %mul3A_2, %multiple_of3A_31 : i32
    %dma_start3A_33 = arith.constant 1 : i32
    %dma_start3A_34 = arith.constant 1 : i32
    %dma_start3A_35 = arith.constant 0 : i32
    %dma_start3A_36 = tpu.memref_slice %arg9[%dma_start3A_33, %dma_start3A_35] : memref<3x80xi32, #tpu.memory_space<vmem>> -> memref<1x80xi32, #tpu.memory_space<vmem>>
    %dma_start3A_37 = tpu.memref_squeeze %dma_start3A_36 : memref<1x80xi32, #tpu.memory_space<vmem>> -> memref<80xi32, #tpu.memory_space<vmem>>
    %dma_start3A_38 = tpu.memref_slice %arg4[%add3A_32] : memref<320000xi32, #tpu.memory_space<hbm>> -> memref<80xi32, #tpu.memory_space<hbm>>
    %dma_start3A_39 = tpu.memref_slice %arg13[%dma_start3A_34] : memref<3x!tpu.dma_semaphore, #tpu.memory_space<semaphore_mem>> -> memref<1x!tpu.dma_semaphore, #tpu.memory_space<semaphore_mem>>
    %dma_start3A_40 = tpu.memref_squeeze %dma_start3A_39 : memref<1x!tpu.dma_semaphore, #tpu.memory_space<semaphore_mem>> -> memref<!tpu.dma_semaphore, #tpu.memory_space<semaphore_mem>>
    %dma_start3A_41 = arith.constant 0 : i32
    %dma_start3A_42 = tpu.memref_slice %arg9[%dma_start3A_33, %dma_start3A_41] : memref<3x80xi32, #tpu.memory_space<vmem>> -> memref<1x80xi32, #tpu.memory_space<vmem>>
    %dma_start3A_43 = tpu.memref_squeeze %dma_start3A_42 : memref<1x80xi32, #tpu.memory_space<vmem>> -> memref<80xi32, #tpu.memory_space<vmem>>
    %dma_start3A_44 = tpu.memref_slice %arg4[%add3A_32] : memref<320000xi32, #tpu.memory_space<hbm>> -> memref<80xi32, #tpu.memory_space<hbm>>
    tpu.enqueue_dma source(%dma_start3A_44 : memref<80xi32, #tpu.memory_space<hbm>>) target(%dma_start3A_43 : memref<80xi32, #tpu.memory_space<vmem>>) target_semaphore(%dma_start3A_40 : memref<!tpu.dma_semaphore, #tpu.memory_space<semaphore_mem>>)
    %multiple_of3A_45 = arith.constant 80 : i32
    %multiple_of3A_46 = tpu.assume_multiple %multiple_of3A_45, 8 : i32
    %dma_start3A_47 = arith.constant 1 : i32
    %dma_start3A_48 = arith.constant 1 : i32
    %dma_start3A_49 = arith.constant 0 : i32
    %dma_start3A_50 = arith.constant 0 : i32
    %dma_start3A_51 = tpu.memref_slice %arg10[%dma_start3A_47, %dma_start3A_49, %dma_start3A_50] : memref<3x80x128xf32, #tpu.memory_space<vmem>> -> memref<1x80x128xf32, #tpu.memory_space<vmem>>
    %dma_start3A_52 = tpu.memref_squeeze %dma_start3A_51 : memref<1x80x128xf32, #tpu.memory_space<vmem>> -> memref<80x128xf32, #tpu.memory_space<vmem>>
    %dma_start3A_53 = tpu.memref_slice %arg8[%multiple_of3A_46] : memref<10000xi32, #tpu.memory_space<vmem>> -> memref<80xi32, #tpu.memory_space<vmem>>
    %dma_start3A_54 = arith.constant 0 : i32
    %dma_start3A_55 = arith.constant 0 : i32
    %dma_start3A_56 = tpu.memref_slice %arg2[%dma_start3A_54, %dma_start3A_55] : memref<10000x128xf32, #tpu.memory_space<hbm>> -> memref<10000x128xf32, #tpu.memory_space<hbm>>
    %dma_start3A_57 = tpu.memref_slice %arg11[%dma_start3A_48] : memref<3x!tpu.dma_semaphore, #tpu.memory_space<semaphore_mem>> -> memref<1x!tpu.dma_semaphore, #tpu.memory_space<semaphore_mem>>
    %dma_start3A_58 = tpu.memref_squeeze %dma_start3A_57 : memref<1x!tpu.dma_semaphore, #tpu.memory_space<semaphore_mem>> -> memref<!tpu.dma_semaphore, #tpu.memory_space<semaphore_mem>>
    tpu.enqueue_indirect_dma source(%dma_start3A_56 : memref<10000x128xf32, #tpu.memory_space<hbm>>) target(%dma_start3A_52 : memref<80x128xf32, #tpu.memory_space<vmem>>) offsets(%dma_start3A_53 : memref<80xi32, #tpu.memory_space<vmem>>) semaphore(%dma_start3A_58 : memref<!tpu.dma_semaphore, #tpu.memory_space<semaphore_mem>>)
    %mul3A_59 = arith.constant 640 : i32
    %mul3A_60 = arith.muli %arg1, %mul3A_59 : i32
    "tpu.region"() ({
      %run_scoped3A = tpu.sem_alloc : memref<!tpu.dma_semaphore, #tpu.memory_space<semaphore_mem>>
      %dma_start3A_194 = arith.constant 0 : i32
      %dma_start3A_195 = tpu.memref_slice %arg7[%mul3A_60, %dma_start3A_194] : memref<10240x128xf32, #tpu.memory_space<vmem_shared>> -> memref<640x128xf32, #tpu.memory_space<vmem_shared>>
      tpu.enqueue_dma source(%arg5 : memref<640x128xf32, #tpu.memory_space<hbm>>) target(%dma_start3A_195 : memref<640x128xf32, #tpu.memory_space<vmem_shared>>) target_semaphore(%run_scoped3A : memref<!tpu.dma_semaphore, #tpu.memory_space<semaphore_mem>>)
      %dma_wait3A_196 = arith.constant 0 : i32
      %dma_wait3A_197 = tpu.memref_slice %arg7[%mul3A_60, %dma_wait3A_196] : memref<10240x128xf32, #tpu.memory_space<vmem_shared>> -> memref<640x128xf32, #tpu.memory_space<vmem_shared>>
      tpu.wait_dma2 semaphore(%run_scoped3A : memref<!tpu.dma_semaphore, #tpu.memory_space<semaphore_mem>>) src(%arg5 : memref<640x128xf32, #tpu.memory_space<hbm>>) dst(%dma_wait3A_197 : memref<640x128xf32, #tpu.memory_space<vmem_shared>>)
      tpu.yield
    }) : () -> ()
    %barrier3A = arith.constant 0 : index
    tpu.barrier barrier_id(%barrier3A)
    %scan3A = arith.constant 0 : i32
    %scan3A_61 = arith.constant 41 : i32
    %scan3A_62 = arith.addi %scan3A, %scan3A_61 : i32
    %scan3A_63 = arith.constant 1 : i32
    scf.for %scan3A_194 = %scan3A to %scan3A_62 step %scan3A_63  : i32 {
      %mul3A_195 = arith.constant 3 : i32
      %mul3A_196 = arith.muli %scan3A_194, %mul3A_195 : i32
      %add3A_197 = arith.constant 0 : i32
      %add3A_198 = arith.addi %mul3A_196, %add3A_197 : i32
      %dma_wait3A_199 = arith.constant 0 : i32
      %dma_wait3A_200 = arith.constant 0 : i32
      %dma_wait3A_201 = arith.constant 0 : i32
      %dma_wait3A_202 = arith.constant 0 : i32
      %dma_wait3A_203 = tpu.memref_slice %arg10[%dma_wait3A_199, %dma_wait3A_201, %dma_wait3A_202] : memref<3x80x128xf32, #tpu.memory_space<vmem>> -> memref<1x80x128xf32, #tpu.memory_space<vmem>>
      %dma_wait3A_204 = tpu.memref_squeeze %dma_wait3A_203 : memref<1x80x128xf32, #tpu.memory_space<vmem>> -> memref<80x128xf32, #tpu.memory_space<vmem>>
      %dma_wait3A_205 = arith.constant 0 : i32
      %dma_wait3A_206 = tpu.memref_slice %arg8[%dma_wait3A_205] : memref<10000xi32, #tpu.memory_space<vmem>> -> memref<80xi32, #tpu.memory_space<vmem>>
      %dma_wait3A_207 = arith.constant 0 : i32
      %dma_wait3A_208 = arith.constant 0 : i32
      %dma_wait3A_209 = tpu.memref_slice %arg2[%dma_wait3A_207, %dma_wait3A_208] : memref<10000x128xf32, #tpu.memory_space<hbm>> -> memref<10000x128xf32, #tpu.memory_space<hbm>>
      %dma_wait3A_210 = tpu.memref_slice %arg11[%dma_wait3A_200] : memref<3x!tpu.dma_semaphore, #tpu.memory_space<semaphore_mem>> -> memref<1x!tpu.dma_semaphore, #tpu.memory_space<semaphore_mem>>
      %dma_wait3A_211 = tpu.memref_squeeze %dma_wait3A_210 : memref<1x!tpu.dma_semaphore, #tpu.memory_space<semaphore_mem>> -> memref<!tpu.dma_semaphore, #tpu.memory_space<semaphore_mem>>
      tpu.wait_indirect_dma semaphore(%dma_wait3A_211 : memref<!tpu.dma_semaphore, #tpu.memory_space<semaphore_mem>>) src(%dma_wait3A_209 : memref<10000x128xf32, #tpu.memory_space<hbm>>) dst(%dma_wait3A_204 : memref<80x128xf32, #tpu.memory_space<vmem>>)
      %dma_wait3A_212 = arith.constant 0 : i32
      %dma_wait3A_213 = arith.constant 0 : i32
      %dma_wait3A_214 = arith.constant 0 : i32
      %dma_wait3A_215 = tpu.memref_slice %arg9[%dma_wait3A_212, %dma_wait3A_214] : memref<3x80xi32, #tpu.memory_space<vmem>> -> memref<1x80xi32, #tpu.memory_space<vmem>>
      %dma_wait3A_216 = tpu.memref_squeeze %dma_wait3A_215 : memref<1x80xi32, #tpu.memory_space<vmem>> -> memref<80xi32, #tpu.memory_space<vmem>>
      %dma_wait3A_217 = tpu.memref_slice %arg4[%mul3A_2] : memref<320000xi32, #tpu.memory_space<hbm>> -> memref<80xi32, #tpu.memory_space<hbm>>
      %dma_wait3A_218 = tpu.memref_slice %arg13[%dma_wait3A_213] : memref<3x!tpu.dma_semaphore, #tpu.memory_space<semaphore_mem>> -> memref<1x!tpu.dma_semaphore, #tpu.memory_space<semaphore_mem>>
      %dma_wait3A_219 = tpu.memref_squeeze %dma_wait3A_218 : memref<1x!tpu.dma_semaphore, #tpu.memory_space<semaphore_mem>> -> memref<!tpu.dma_semaphore, #tpu.memory_space<semaphore_mem>>
      %dma_wait3A_220 = arith.constant 0 : i32
      %dma_wait3A_221 = tpu.memref_slice %arg9[%dma_wait3A_212, %dma_wait3A_220] : memref<3x80xi32, #tpu.memory_space<vmem>> -> memref<1x80xi32, #tpu.memory_space<vmem>>
      %dma_wait3A_222 = tpu.memref_squeeze %dma_wait3A_221 : memref<1x80xi32, #tpu.memory_space<vmem>> -> memref<80xi32, #tpu.memory_space<vmem>>
      %dma_wait3A_223 = tpu.memref_slice %arg4[%mul3A_2] : memref<320000xi32, #tpu.memory_space<hbm>> -> memref<80xi32, #tpu.memory_space<hbm>>
      tpu.wait_dma2 semaphore(%dma_wait3A_219 : memref<!tpu.dma_semaphore, #tpu.memory_space<semaphore_mem>>) src(%dma_wait3A_223 : memref<80xi32, #tpu.memory_space<hbm>>) dst(%dma_wait3A_222 : memref<80xi32, #tpu.memory_space<vmem>>)
      %dma_start3A_224 = arith.constant 0 : i32
      %dma_start3A_225 = arith.constant 0 : i32
      %dma_start3A_226 = arith.constant 0 : i32
      %dma_start3A_227 = arith.constant 0 : i32
      %dma_start3A_228 = arith.constant 0 : i32
      %dma_start3A_229 = tpu.memref_slice %arg10[%dma_start3A_224, %dma_start3A_227, %dma_start3A_228] : memref<3x80x128xf32, #tpu.memory_space<vmem>> -> memref<1x80x128xf32, #tpu.memory_space<vmem>>
      %dma_start3A_230 = tpu.memref_squeeze %dma_start3A_229 : memref<1x80x128xf32, #tpu.memory_space<vmem>> -> memref<80x128xf32, #tpu.memory_space<vmem>>
      %dma_start3A_231 = arith.constant 0 : i32
      %dma_start3A_232 = tpu.memref_slice %arg9[%dma_start3A_225, %dma_start3A_231] : memref<3x80xi32, #tpu.memory_space<vmem>> -> memref<1x80xi32, #tpu.memory_space<vmem>>
      %dma_start3A_233 = tpu.memref_squeeze %dma_start3A_232 : memref<1x80xi32, #tpu.memory_space<vmem>> -> memref<80xi32, #tpu.memory_space<vmem>>
      %dma_start3A_234 = arith.constant 0 : i32
      %dma_start3A_235 = arith.constant 0 : i32
      %dma_start3A_236 = tpu.memref_slice %arg7[%dma_start3A_234, %dma_start3A_235] : memref<10240x128xf32, #tpu.memory_space<vmem_shared>> -> memref<10240x128xf32, #tpu.memory_space<vmem_shared>>
      %dma_start3A_237 = tpu.memref_slice %arg12[%dma_start3A_226] : memref<3x!tpu.dma_semaphore, #tpu.memory_space<semaphore_mem>> -> memref<1x!tpu.dma_semaphore, #tpu.memory_space<semaphore_mem>>
      %dma_start3A_238 = tpu.memref_squeeze %dma_start3A_237 : memref<1x!tpu.dma_semaphore, #tpu.memory_space<semaphore_mem>> -> memref<!tpu.dma_semaphore, #tpu.memory_space<semaphore_mem>>
      tpu.enqueue_indirect_dma source(%dma_start3A_230 : memref<80x128xf32, #tpu.memory_space<vmem>>) target(%dma_start3A_236 : memref<10240x128xf32, #tpu.memory_space<vmem_shared>>) offsets(%dma_start3A_233 : memref<80xi32, #tpu.memory_space<vmem>>) semaphore(%dma_start3A_238 : memref<!tpu.dma_semaphore, #tpu.memory_space<semaphore_mem>>) {add = true}
      %ge3A = arith.constant 1 : i32
      %ge3A_239 = arith.cmpi sge, %add3A_198, %ge3A : i32
      %convert_element_type3A = arith.extui %ge3A_239 : i1 to i32
      %cond3A = arith.constant 0 : i32
      %cond3A_240 = arith.cmpi ne, %convert_element_type3A, %cond3A : i32
      scf.if %cond3A_240 {
        %dma_wait3A_359 = arith.constant 2 : i32
        %dma_wait3A_360 = arith.constant 2 : i32
        %dma_wait3A_361 = arith.constant 2 : i32
        %dma_wait3A_362 = arith.constant 0 : i32
        %dma_wait3A_363 = arith.constant 0 : i32
        %dma_wait3A_364 = tpu.memref_slice %arg10[%dma_wait3A_359, %dma_wait3A_362, %dma_wait3A_363] : memref<3x80x128xf32, #tpu.memory_space<vmem>> -> memref<1x80x128xf32, #tpu.memory_space<vmem>>
        %dma_wait3A_365 = tpu.memref_squeeze %dma_wait3A_364 : memref<1x80x128xf32, #tpu.memory_space<vmem>> -> memref<80x128xf32, #tpu.memory_space<vmem>>
        %dma_wait3A_366 = arith.constant 0 : i32
        %dma_wait3A_367 = tpu.memref_slice %arg9[%dma_wait3A_360, %dma_wait3A_366] : memref<3x80xi32, #tpu.memory_space<vmem>> -> memref<1x80xi32, #tpu.memory_space<vmem>>
        %dma_wait3A_368 = tpu.memref_squeeze %dma_wait3A_367 : memref<1x80xi32, #tpu.memory_space<vmem>> -> memref<80xi32, #tpu.memory_space<vmem>>
        %dma_wait3A_369 = arith.constant 0 : i32
        %dma_wait3A_370 = arith.constant 0 : i32
        %dma_wait3A_371 = tpu.memref_slice %arg7[%dma_wait3A_369, %dma_wait3A_370] : memref<10240x128xf32, #tpu.memory_space<vmem_shared>> -> memref<10240x128xf32, #tpu.memory_space<vmem_shared>>
        %dma_wait3A_372 = tpu.memref_slice %arg12[%dma_wait3A_361] : memref<3x!tpu.dma_semaphore, #tpu.memory_space<semaphore_mem>> -> memref<1x!tpu.dma_semaphore, #tpu.memory_space<semaphore_mem>>
        %dma_wait3A_373 = tpu.memref_squeeze %dma_wait3A_372 : memref<1x!tpu.dma_semaphore, #tpu.memory_space<semaphore_mem>> -> memref<!tpu.dma_semaphore, #tpu.memory_space<semaphore_mem>>
        tpu.wait_indirect_dma semaphore(%dma_wait3A_373 : memref<!tpu.dma_semaphore, #tpu.memory_space<semaphore_mem>>) src(%dma_wait3A_365 : memref<80x128xf32, #tpu.memory_space<vmem>>) dst(%dma_wait3A_371 : memref<10240x128xf32, #tpu.memory_space<vmem_shared>>)
      } else {
      }
      %add3A_241 = arith.constant 2 : i32
      %add3A_242 = arith.addi %add3A_198, %add3A_241 : i32
      %lt3A = arith.constant 125 : i32
      %lt3A_243 = arith.cmpi slt, %add3A_242, %lt3A : i32
      %convert_element_type3A_244 = arith.extui %lt3A_243 : i1 to i32
      %cond3A_245 = arith.constant 0 : i32
      %cond3A_246 = arith.cmpi ne, %convert_element_type3A_244, %cond3A_245 : i32
      scf.if %cond3A_246 {
        %add3A_359 = arith.constant 2 : i32
        %add3A_360 = arith.addi %add3A_198, %add3A_359 : i32
        %mul3A_361 = arith.constant 80 : i32
        %mul3A_362 = arith.muli %add3A_360, %mul3A_361 : i32
        %multiple_of3A_363 = tpu.assume_multiple %mul3A_362, 8 : i32
        %add3A_364 = arith.addi %mul3A_2, %multiple_of3A_363 : i32
        %dma_start3A_365 = arith.constant 2 : i32
        %dma_start3A_366 = arith.constant 2 : i32
        %dma_start3A_367 = arith.constant 0 : i32
        %dma_start3A_368 = tpu.memref_slice %arg9[%dma_start3A_365, %dma_start3A_367] : memref<3x80xi32, #tpu.memory_space<vmem>> -> memref<1x80xi32, #tpu.memory_space<vmem>>
        %dma_start3A_369 = tpu.memref_squeeze %dma_start3A_368 : memref<1x80xi32, #tpu.memory_space<vmem>> -> memref<80xi32, #tpu.memory_space<vmem>>
        %dma_start3A_370 = tpu.memref_slice %arg4[%add3A_364] : memref<320000xi32, #tpu.memory_space<hbm>> -> memref<80xi32, #tpu.memory_space<hbm>>
        %dma_start3A_371 = tpu.memref_slice %arg13[%dma_start3A_366] : memref<3x!tpu.dma_semaphore, #tpu.memory_space<semaphore_mem>> -> memref<1x!tpu.dma_semaphore, #tpu.memory_space<semaphore_mem>>
        %dma_start3A_372 = tpu.memref_squeeze %dma_start3A_371 : memref<1x!tpu.dma_semaphore, #tpu.memory_space<semaphore_mem>> -> memref<!tpu.dma_semaphore, #tpu.memory_space<semaphore_mem>>
        %dma_start3A_373 = arith.constant 0 : i32
        %dma_start3A_374 = tpu.memref_slice %arg9[%dma_start3A_365, %dma_start3A_373] : memref<3x80xi32, #tpu.memory_space<vmem>> -> memref<1x80xi32, #tpu.memory_space<vmem>>
        %dma_start3A_375 = tpu.memref_squeeze %dma_start3A_374 : memref<1x80xi32, #tpu.memory_space<vmem>> -> memref<80xi32, #tpu.memory_space<vmem>>
        %dma_start3A_376 = tpu.memref_slice %arg4[%add3A_364] : memref<320000xi32, #tpu.memory_space<hbm>> -> memref<80xi32, #tpu.memory_space<hbm>>
        tpu.enqueue_dma source(%dma_start3A_376 : memref<80xi32, #tpu.memory_space<hbm>>) target(%dma_start3A_375 : memref<80xi32, #tpu.memory_space<vmem>>) target_semaphore(%dma_start3A_372 : memref<!tpu.dma_semaphore, #tpu.memory_space<semaphore_mem>>)
        %add3A_377 = arith.constant 2 : i32
        %add3A_378 = arith.addi %add3A_198, %add3A_377 : i32
        %mul3A_379 = arith.constant 80 : i32
        %mul3A_380 = arith.muli %add3A_378, %mul3A_379 : i32
        %multiple_of3A_381 = tpu.assume_multiple %mul3A_380, 8 : i32
        %dma_start3A_382 = arith.constant 2 : i32
        %dma_start3A_383 = arith.constant 2 : i32
        %dma_start3A_384 = arith.constant 0 : i32
        %dma_start3A_385 = arith.constant 0 : i32
        %dma_start3A_386 = tpu.memref_slice %arg10[%dma_start3A_382, %dma_start3A_384, %dma_start3A_385] : memref<3x80x128xf32, #tpu.memory_space<vmem>> -> memref<1x80x128xf32, #tpu.memory_space<vmem>>
        %dma_start3A_387 = tpu.memref_squeeze %dma_start3A_386 : memref<1x80x128xf32, #tpu.memory_space<vmem>> -> memref<80x128xf32, #tpu.memory_space<vmem>>
        %dma_start3A_388 = tpu.memref_slice %arg8[%multiple_of3A_381] : memref<10000xi32, #tpu.memory_space<vmem>> -> memref<80xi32, #tpu.memory_space<vmem>>
        %dma_start3A_389 = arith.constant 0 : i32
        %dma_start3A_390 = arith.constant 0 : i32
        %dma_start3A_391 = tpu.memref_slice %arg2[%dma_start3A_389, %dma_start3A_390] : memref<10000x128xf32, #tpu.memory_space<hbm>> -> memref<10000x128xf32, #tpu.memory_space<hbm>>
        %dma_start3A_392 = tpu.memref_slice %arg11[%dma_start3A_383] : memref<3x!tpu.dma_semaphore, #tpu.memory_space<semaphore_mem>> -> memref<1x!tpu.dma_semaphore, #tpu.memory_space<semaphore_mem>>
        %dma_start3A_393 = tpu.memref_squeeze %dma_start3A_392 : memref<1x!tpu.dma_semaphore, #tpu.memory_space<semaphore_mem>> -> memref<!tpu.dma_semaphore, #tpu.memory_space<semaphore_mem>>
        tpu.enqueue_indirect_dma source(%dma_start3A_391 : memref<10000x128xf32, #tpu.memory_space<hbm>>) target(%dma_start3A_387 : memref<80x128xf32, #tpu.memory_space<vmem>>) offsets(%dma_start3A_388 : memref<80xi32, #tpu.memory_space<vmem>>) semaphore(%dma_start3A_393 : memref<!tpu.dma_semaphore, #tpu.memory_space<semaphore_mem>>)
      } else {
      }
      %mul3A_247 = arith.constant 3 : i32
      %mul3A_248 = arith.muli %scan3A_194, %mul3A_247 : i32
      %add3A_249 = arith.constant 1 : i32
      %add3A_250 = arith.addi %mul3A_248, %add3A_249 : i32
      %dma_wait3A_251 = arith.constant 1 : i32
      %dma_wait3A_252 = arith.constant 1 : i32
      %dma_wait3A_253 = arith.constant 0 : i32
      %dma_wait3A_254 = arith.constant 0 : i32
      %dma_wait3A_255 = tpu.memref_slice %arg10[%dma_wait3A_251, %dma_wait3A_253, %dma_wait3A_254] : memref<3x80x128xf32, #tpu.memory_space<vmem>> -> memref<1x80x128xf32, #tpu.memory_space<vmem>>
      %dma_wait3A_256 = tpu.memref_squeeze %dma_wait3A_255 : memref<1x80x128xf32, #tpu.memory_space<vmem>> -> memref<80x128xf32, #tpu.memory_space<vmem>>
      %dma_wait3A_257 = arith.constant 0 : i32
      %dma_wait3A_258 = tpu.memref_slice %arg8[%dma_wait3A_257] : memref<10000xi32, #tpu.memory_space<vmem>> -> memref<80xi32, #tpu.memory_space<vmem>>
      %dma_wait3A_259 = arith.constant 0 : i32
      %dma_wait3A_260 = arith.constant 0 : i32
      %dma_wait3A_261 = tpu.memref_slice %arg2[%dma_wait3A_259, %dma_wait3A_260] : memref<10000x128xf32, #tpu.memory_space<hbm>> -> memref<10000x128xf32, #tpu.memory_space<hbm>>
      %dma_wait3A_262 = tpu.memref_slice %arg11[%dma_wait3A_252] : memref<3x!tpu.dma_semaphore, #tpu.memory_space<semaphore_mem>> -> memref<1x!tpu.dma_semaphore, #tpu.memory_space<semaphore_mem>>
      %dma_wait3A_263 = tpu.memref_squeeze %dma_wait3A_262 : memref<1x!tpu.dma_semaphore, #tpu.memory_space<semaphore_mem>> -> memref<!tpu.dma_semaphore, #tpu.memory_space<semaphore_mem>>
      tpu.wait_indirect_dma semaphore(%dma_wait3A_263 : memref<!tpu.dma_semaphore, #tpu.memory_space<semaphore_mem>>) src(%dma_wait3A_261 : memref<10000x128xf32, #tpu.memory_space<hbm>>) dst(%dma_wait3A_256 : memref<80x128xf32, #tpu.memory_space<vmem>>)
      %dma_wait3A_264 = arith.constant 1 : i32
      %dma_wait3A_265 = arith.constant 1 : i32
      %dma_wait3A_266 = arith.constant 0 : i32
      %dma_wait3A_267 = tpu.memref_slice %arg9[%dma_wait3A_264, %dma_wait3A_266] : memref<3x80xi32, #tpu.memory_space<vmem>> -> memref<1x80xi32, #tpu.memory_space<vmem>>
      %dma_wait3A_268 = tpu.memref_squeeze %dma_wait3A_267 : memref<1x80xi32, #tpu.memory_space<vmem>> -> memref<80xi32, #tpu.memory_space<vmem>>
      %dma_wait3A_269 = tpu.memref_slice %arg4[%mul3A_2] : memref<320000xi32, #tpu.memory_space<hbm>> -> memref<80xi32, #tpu.memory_space<hbm>>
      %dma_wait3A_270 = tpu.memref_slice %arg13[%dma_wait3A_265] : memref<3x!tpu.dma_semaphore, #tpu.memory_space<semaphore_mem>> -> memref<1x!tpu.dma_semaphore, #tpu.memory_space<semaphore_mem>>
      %dma_wait3A_271 = tpu.memref_squeeze %dma_wait3A_270 : memref<1x!tpu.dma_semaphore, #tpu.memory_space<semaphore_mem>> -> memref<!tpu.dma_semaphore, #tpu.memory_space<semaphore_mem>>
      %dma_wait3A_272 = arith.constant 0 : i32
      %dma_wait3A_273 = tpu.memref_slice %arg9[%dma_wait3A_264, %dma_wait3A_272] : memref<3x80xi32, #tpu.memory_space<vmem>> -> memref<1x80xi32, #tpu.memory_space<vmem>>
      %dma_wait3A_274 = tpu.memref_squeeze %dma_wait3A_273 : memref<1x80xi32, #tpu.memory_space<vmem>> -> memref<80xi32, #tpu.memory_space<vmem>>
      %dma_wait3A_275 = tpu.memref_slice %arg4[%mul3A_2] : memref<320000xi32, #tpu.memory_space<hbm>> -> memref<80xi32, #tpu.memory_space<hbm>>
      tpu.wait_dma2 semaphore(%dma_wait3A_271 : memref<!tpu.dma_semaphore, #tpu.memory_space<semaphore_mem>>) src(%dma_wait3A_275 : memref<80xi32, #tpu.memory_space<hbm>>) dst(%dma_wait3A_274 : memref<80xi32, #tpu.memory_space<vmem>>)
      %dma_start3A_276 = arith.constant 1 : i32
      %dma_start3A_277 = arith.constant 1 : i32
      %dma_start3A_278 = arith.constant 1 : i32
      %dma_start3A_279 = arith.constant 0 : i32
      %dma_start3A_280 = arith.constant 0 : i32
      %dma_start3A_281 = tpu.memref_slice %arg10[%dma_start3A_276, %dma_start3A_279, %dma_start3A_280] : memref<3x80x128xf32, #tpu.memory_space<vmem>> -> memref<1x80x128xf32, #tpu.memory_space<vmem>>
      %dma_start3A_282 = tpu.memref_squeeze %dma_start3A_281 : memref<1x80x128xf32, #tpu.memory_space<vmem>> -> memref<80x128xf32, #tpu.memory_space<vmem>>
      %dma_start3A_283 = arith.constant 0 : i32
      %dma_start3A_284 = tpu.memref_slice %arg9[%dma_start3A_277, %dma_start3A_283] : memref<3x80xi32, #tpu.memory_space<vmem>> -> memref<1x80xi32, #tpu.memory_space<vmem>>
      %dma_start3A_285 = tpu.memref_squeeze %dma_start3A_284 : memref<1x80xi32, #tpu.memory_space<vmem>> -> memref<80xi32, #tpu.memory_space<vmem>>
      %dma_start3A_286 = arith.constant 0 : i32
      %dma_start3A_287 = arith.constant 0 : i32
      %dma_start3A_288 = tpu.memref_slice %arg7[%dma_start3A_286, %dma_start3A_287] : memref<10240x128xf32, #tpu.memory_space<vmem_shared>> -> memref<10240x128xf32, #tpu.memory_space<vmem_shared>>
      %dma_start3A_289 = tpu.memref_slice %arg12[%dma_start3A_278] : memref<3x!tpu.dma_semaphore, #tpu.memory_space<semaphore_mem>> -> memref<1x!tpu.dma_semaphore, #tpu.memory_space<semaphore_mem>>
      %dma_start3A_290 = tpu.memref_squeeze %dma_start3A_289 : memref<1x!tpu.dma_semaphore, #tpu.memory_space<semaphore_mem>> -> memref<!tpu.dma_semaphore, #tpu.memory_space<semaphore_mem>>
      tpu.enqueue_indirect_dma source(%dma_start3A_282 : memref<80x128xf32, #tpu.memory_space<vmem>>) target(%dma_start3A_288 : memref<10240x128xf32, #tpu.memory_space<vmem_shared>>) offsets(%dma_start3A_285 : memref<80xi32, #tpu.memory_space<vmem>>) semaphore(%dma_start3A_290 : memref<!tpu.dma_semaphore, #tpu.memory_space<semaphore_mem>>) {add = true}
      %ge3A_291 = arith.constant 1 : i32
      %ge3A_292 = arith.cmpi sge, %add3A_250, %ge3A_291 : i32
      %convert_element_type3A_293 = arith.extui %ge3A_292 : i1 to i32
      %cond3A_294 = arith.constant 0 : i32
      %cond3A_295 = arith.cmpi ne, %convert_element_type3A_293, %cond3A_294 : i32
      scf.if %cond3A_295 {
        %dma_wait3A_359 = arith.constant 0 : i32
        %dma_wait3A_360 = arith.constant 0 : i32
        %dma_wait3A_361 = arith.constant 0 : i32
        %dma_wait3A_362 = arith.constant 0 : i32
        %dma_wait3A_363 = arith.constant 0 : i32
        %dma_wait3A_364 = tpu.memref_slice %arg10[%dma_wait3A_359, %dma_wait3A_362, %dma_wait3A_363] : memref<3x80x128xf32, #tpu.memory_space<vmem>> -> memref<1x80x128xf32, #tpu.memory_space<vmem>>
        %dma_wait3A_365 = tpu.memref_squeeze %dma_wait3A_364 : memref<1x80x128xf32, #tpu.memory_space<vmem>> -> memref<80x128xf32, #tpu.memory_space<vmem>>
        %dma_wait3A_366 = arith.constant 0 : i32
        %dma_wait3A_367 = tpu.memref_slice %arg9[%dma_wait3A_360, %dma_wait3A_366] : memref<3x80xi32, #tpu.memory_space<vmem>> -> memref<1x80xi32, #tpu.memory_space<vmem>>
        %dma_wait3A_368 = tpu.memref_squeeze %dma_wait3A_367 : memref<1x80xi32, #tpu.memory_space<vmem>> -> memref<80xi32, #tpu.memory_space<vmem>>
        %dma_wait3A_369 = arith.constant 0 : i32
        %dma_wait3A_370 = arith.constant 0 : i32
        %dma_wait3A_371 = tpu.memref_slice %arg7[%dma_wait3A_369, %dma_wait3A_370] : memref<10240x128xf32, #tpu.memory_space<vmem_shared>> -> memref<10240x128xf32, #tpu.memory_space<vmem_shared>>
        %dma_wait3A_372 = tpu.memref_slice %arg12[%dma_wait3A_361] : memref<3x!tpu.dma_semaphore, #tpu.memory_space<semaphore_mem>> -> memref<1x!tpu.dma_semaphore, #tpu.memory_space<semaphore_mem>>
        %dma_wait3A_373 = tpu.memref_squeeze %dma_wait3A_372 : memref<1x!tpu.dma_semaphore, #tpu.memory_space<semaphore_mem>> -> memref<!tpu.dma_semaphore, #tpu.memory_space<semaphore_mem>>
        tpu.wait_indirect_dma semaphore(%dma_wait3A_373 : memref<!tpu.dma_semaphore, #tpu.memory_space<semaphore_mem>>) src(%dma_wait3A_365 : memref<80x128xf32, #tpu.memory_space<vmem>>) dst(%dma_wait3A_371 : memref<10240x128xf32, #tpu.memory_space<vmem_shared>>)
      } else {
      }
      %add3A_296 = arith.constant 2 : i32
      %add3A_297 = arith.addi %add3A_250, %add3A_296 : i32
      %lt3A_298 = arith.constant 125 : i32
      %lt3A_299 = arith.cmpi slt, %add3A_297, %lt3A_298 : i32
      %convert_element_type3A_300 = arith.extui %lt3A_299 : i1 to i32
      %cond3A_301 = arith.constant 0 : i32
      %cond3A_302 = arith.cmpi ne, %convert_element_type3A_300, %cond3A_301 : i32
      scf.if %cond3A_302 {
        %add3A_359 = arith.constant 2 : i32
        %add3A_360 = arith.addi %add3A_250, %add3A_359 : i32
        %mul3A_361 = arith.constant 80 : i32
        %mul3A_362 = arith.muli %add3A_360, %mul3A_361 : i32
        %multiple_of3A_363 = tpu.assume_multiple %mul3A_362, 8 : i32
        %add3A_364 = arith.addi %mul3A_2, %multiple_of3A_363 : i32
        %dma_start3A_365 = arith.constant 0 : i32
        %dma_start3A_366 = arith.constant 0 : i32
        %dma_start3A_367 = arith.constant 0 : i32
        %dma_start3A_368 = tpu.memref_slice %arg9[%dma_start3A_365, %dma_start3A_367] : memref<3x80xi32, #tpu.memory_space<vmem>> -> memref<1x80xi32, #tpu.memory_space<vmem>>
        %dma_start3A_369 = tpu.memref_squeeze %dma_start3A_368 : memref<1x80xi32, #tpu.memory_space<vmem>> -> memref<80xi32, #tpu.memory_space<vmem>>
        %dma_start3A_370 = tpu.memref_slice %arg4[%add3A_364] : memref<320000xi32, #tpu.memory_space<hbm>> -> memref<80xi32, #tpu.memory_space<hbm>>
        %dma_start3A_371 = tpu.memref_slice %arg13[%dma_start3A_366] : memref<3x!tpu.dma_semaphore, #tpu.memory_space<semaphore_mem>> -> memref<1x!tpu.dma_semaphore, #tpu.memory_space<semaphore_mem>>
        %dma_start3A_372 = tpu.memref_squeeze %dma_start3A_371 : memref<1x!tpu.dma_semaphore, #tpu.memory_space<semaphore_mem>> -> memref<!tpu.dma_semaphore, #tpu.memory_space<semaphore_mem>>
        %dma_start3A_373 = arith.constant 0 : i32
        %dma_start3A_374 = tpu.memref_slice %arg9[%dma_start3A_365, %dma_start3A_373] : memref<3x80xi32, #tpu.memory_space<vmem>> -> memref<1x80xi32, #tpu.memory_space<vmem>>
        %dma_start3A_375 = tpu.memref_squeeze %dma_start3A_374 : memref<1x80xi32, #tpu.memory_space<vmem>> -> memref<80xi32, #tpu.memory_space<vmem>>
        %dma_start3A_376 = tpu.memref_slice %arg4[%add3A_364] : memref<320000xi32, #tpu.memory_space<hbm>> -> memref<80xi32, #tpu.memory_space<hbm>>
        tpu.enqueue_dma source(%dma_start3A_376 : memref<80xi32, #tpu.memory_space<hbm>>) target(%dma_start3A_375 : memref<80xi32, #tpu.memory_space<vmem>>) target_semaphore(%dma_start3A_372 : memref<!tpu.dma_semaphore, #tpu.memory_space<semaphore_mem>>)
        %add3A_377 = arith.constant 2 : i32
        %add3A_378 = arith.addi %add3A_250, %add3A_377 : i32
        %mul3A_379 = arith.constant 80 : i32
        %mul3A_380 = arith.muli %add3A_378, %mul3A_379 : i32
        %multiple_of3A_381 = tpu.assume_multiple %mul3A_380, 8 : i32
        %dma_start3A_382 = arith.constant 0 : i32
        %dma_start3A_383 = arith.constant 0 : i32
        %dma_start3A_384 = arith.constant 0 : i32
        %dma_start3A_385 = arith.constant 0 : i32
        %dma_start3A_386 = tpu.memref_slice %arg10[%dma_start3A_382, %dma_start3A_384, %dma_start3A_385] : memref<3x80x128xf32, #tpu.memory_space<vmem>> -> memref<1x80x128xf32, #tpu.memory_space<vmem>>
        %dma_start3A_387 = tpu.memref_squeeze %dma_start3A_386 : memref<1x80x128xf32, #tpu.memory_space<vmem>> -> memref<80x128xf32, #tpu.memory_space<vmem>>
        %dma_start3A_388 = tpu.memref_slice %arg8[%multiple_of3A_381] : memref<10000xi32, #tpu.memory_space<vmem>> -> memref<80xi32, #tpu.memory_space<vmem>>
        %dma_start3A_389 = arith.constant 0 : i32
        %dma_start3A_390 = arith.constant 0 : i32
        %dma_start3A_391 = tpu.memref_slice %arg2[%dma_start3A_389, %dma_start3A_390] : memref<10000x128xf32, #tpu.memory_space<hbm>> -> memref<10000x128xf32, #tpu.memory_space<hbm>>
        %dma_start3A_392 = tpu.memref_slice %arg11[%dma_start3A_383] : memref<3x!tpu.dma_semaphore, #tpu.memory_space<semaphore_mem>> -> memref<1x!tpu.dma_semaphore, #tpu.memory_space<semaphore_mem>>
        %dma_start3A_393 = tpu.memref_squeeze %dma_start3A_392 : memref<1x!tpu.dma_semaphore, #tpu.memory_space<semaphore_mem>> -> memref<!tpu.dma_semaphore, #tpu.memory_space<semaphore_mem>>
        tpu.enqueue_indirect_dma source(%dma_start3A_391 : memref<10000x128xf32, #tpu.memory_space<hbm>>) target(%dma_start3A_387 : memref<80x128xf32, #tpu.memory_space<vmem>>) offsets(%dma_start3A_388 : memref<80xi32, #tpu.memory_space<vmem>>) semaphore(%dma_start3A_393 : memref<!tpu.dma_semaphore, #tpu.memory_space<semaphore_mem>>)
      } else {
      }
      %mul3A_303 = arith.constant 3 : i32
      %mul3A_304 = arith.muli %scan3A_194, %mul3A_303 : i32
      %add3A_305 = arith.constant 2 : i32
      %add3A_306 = arith.addi %mul3A_304, %add3A_305 : i32
      %dma_wait3A_307 = arith.constant 2 : i32
      %dma_wait3A_308 = arith.constant 2 : i32
      %dma_wait3A_309 = arith.constant 0 : i32
      %dma_wait3A_310 = arith.constant 0 : i32
      %dma_wait3A_311 = tpu.memref_slice %arg10[%dma_wait3A_307, %dma_wait3A_309, %dma_wait3A_310] : memref<3x80x128xf32, #tpu.memory_space<vmem>> -> memref<1x80x128xf32, #tpu.memory_space<vmem>>
      %dma_wait3A_312 = tpu.memref_squeeze %dma_wait3A_311 : memref<1x80x128xf32, #tpu.memory_space<vmem>> -> memref<80x128xf32, #tpu.memory_space<vmem>>
      %dma_wait3A_313 = arith.constant 0 : i32
      %dma_wait3A_314 = tpu.memref_slice %arg8[%dma_wait3A_313] : memref<10000xi32, #tpu.memory_space<vmem>> -> memref<80xi32, #tpu.memory_space<vmem>>
      %dma_wait3A_315 = arith.constant 0 : i32
      %dma_wait3A_316 = arith.constant 0 : i32
      %dma_wait3A_317 = tpu.memref_slice %arg2[%dma_wait3A_315, %dma_wait3A_316] : memref<10000x128xf32, #tpu.memory_space<hbm>> -> memref<10000x128xf32, #tpu.memory_space<hbm>>
      %dma_wait3A_318 = tpu.memref_slice %arg11[%dma_wait3A_308] : memref<3x!tpu.dma_semaphore, #tpu.memory_space<semaphore_mem>> -> memref<1x!tpu.dma_semaphore, #tpu.memory_space<semaphore_mem>>
      %dma_wait3A_319 = tpu.memref_squeeze %dma_wait3A_318 : memref<1x!tpu.dma_semaphore, #tpu.memory_space<semaphore_mem>> -> memref<!tpu.dma_semaphore, #tpu.memory_space<semaphore_mem>>
      tpu.wait_indirect_dma semaphore(%dma_wait3A_319 : memref<!tpu.dma_semaphore, #tpu.memory_space<semaphore_mem>>) src(%dma_wait3A_317 : memref<10000x128xf32, #tpu.memory_space<hbm>>) dst(%dma_wait3A_312 : memref<80x128xf32, #tpu.memory_space<vmem>>)
      %dma_wait3A_320 = arith.constant 2 : i32
      %dma_wait3A_321 = arith.constant 2 : i32
      %dma_wait3A_322 = arith.constant 0 : i32
      %dma_wait3A_323 = tpu.memref_slice %arg9[%dma_wait3A_320, %dma_wait3A_322] : memref<3x80xi32, #tpu.memory_space<vmem>> -> memref<1x80xi32, #tpu.memory_space<vmem>>
      %dma_wait3A_324 = tpu.memref_squeeze %dma_wait3A_323 : memref<1x80xi32, #tpu.memory_space<vmem>> -> memref<80xi32, #tpu.memory_space<vmem>>
      %dma_wait3A_325 = tpu.memref_slice %arg4[%mul3A_2] : memref<320000xi32, #tpu.memory_space<hbm>> -> memref<80xi32, #tpu.memory_space<hbm>>
      %dma_wait3A_326 = tpu.memref_slice %arg13[%dma_wait3A_321] : memref<3x!tpu.dma_semaphore, #tpu.memory_space<semaphore_mem>> -> memref<1x!tpu.dma_semaphore, #tpu.memory_space<semaphore_mem>>
      %dma_wait3A_327 = tpu.memref_squeeze %dma_wait3A_326 : memref<1x!tpu.dma_semaphore, #tpu.memory_space<semaphore_mem>> -> memref<!tpu.dma_semaphore, #tpu.memory_space<semaphore_mem>>
      %dma_wait3A_328 = arith.constant 0 : i32
      %dma_wait3A_329 = tpu.memref_slice %arg9[%dma_wait3A_320, %dma_wait3A_328] : memref<3x80xi32, #tpu.memory_space<vmem>> -> memref<1x80xi32, #tpu.memory_space<vmem>>
      %dma_wait3A_330 = tpu.memref_squeeze %dma_wait3A_329 : memref<1x80xi32, #tpu.memory_space<vmem>> -> memref<80xi32, #tpu.memory_space<vmem>>
      %dma_wait3A_331 = tpu.memref_slice %arg4[%mul3A_2] : memref<320000xi32, #tpu.memory_space<hbm>> -> memref<80xi32, #tpu.memory_space<hbm>>
      tpu.wait_dma2 semaphore(%dma_wait3A_327 : memref<!tpu.dma_semaphore, #tpu.memory_space<semaphore_mem>>) src(%dma_wait3A_331 : memref<80xi32, #tpu.memory_space<hbm>>) dst(%dma_wait3A_330 : memref<80xi32, #tpu.memory_space<vmem>>)
      %dma_start3A_332 = arith.constant 2 : i32
      %dma_start3A_333 = arith.constant 2 : i32
      %dma_start3A_334 = arith.constant 2 : i32
      %dma_start3A_335 = arith.constant 0 : i32
      %dma_start3A_336 = arith.constant 0 : i32
      %dma_start3A_337 = tpu.memref_slice %arg10[%dma_start3A_332, %dma_start3A_335, %dma_start3A_336] : memref<3x80x128xf32, #tpu.memory_space<vmem>> -> memref<1x80x128xf32, #tpu.memory_space<vmem>>
      %dma_start3A_338 = tpu.memref_squeeze %dma_start3A_337 : memref<1x80x128xf32, #tpu.memory_space<vmem>> -> memref<80x128xf32, #tpu.memory_space<vmem>>
      %dma_start3A_339 = arith.constant 0 : i32
      %dma_start3A_340 = tpu.memref_slice %arg9[%dma_start3A_333, %dma_start3A_339] : memref<3x80xi32, #tpu.memory_space<vmem>> -> memref<1x80xi32, #tpu.memory_space<vmem>>
      %dma_start3A_341 = tpu.memref_squeeze %dma_start3A_340 : memref<1x80xi32, #tpu.memory_space<vmem>> -> memref<80xi32, #tpu.memory_space<vmem>>
      %dma_start3A_342 = arith.constant 0 : i32
      %dma_start3A_343 = arith.constant 0 : i32
      %dma_start3A_344 = tpu.memref_slice %arg7[%dma_start3A_342, %dma_start3A_343] : memref<10240x128xf32, #tpu.memory_space<vmem_shared>> -> memref<10240x128xf32, #tpu.memory_space<vmem_shared>>
      %dma_start3A_345 = tpu.memref_slice %arg12[%dma_start3A_334] : memref<3x!tpu.dma_semaphore, #tpu.memory_space<semaphore_mem>> -> memref<1x!tpu.dma_semaphore, #tpu.memory_space<semaphore_mem>>
      %dma_start3A_346 = tpu.memref_squeeze %dma_start3A_345 : memref<1x!tpu.dma_semaphore, #tpu.memory_space<semaphore_mem>> -> memref<!tpu.dma_semaphore, #tpu.memory_space<semaphore_mem>>
      tpu.enqueue_indirect_dma source(%dma_start3A_338 : memref<80x128xf32, #tpu.memory_space<vmem>>) target(%dma_start3A_344 : memref<10240x128xf32, #tpu.memory_space<vmem_shared>>) offsets(%dma_start3A_341 : memref<80xi32, #tpu.memory_space<vmem>>) semaphore(%dma_start3A_346 : memref<!tpu.dma_semaphore, #tpu.memory_space<semaphore_mem>>) {add = true}
      %ge3A_347 = arith.constant 1 : i32
      %ge3A_348 = arith.cmpi sge, %add3A_306, %ge3A_347 : i32
      %convert_element_type3A_349 = arith.extui %ge3A_348 : i1 to i32
      %cond3A_350 = arith.constant 0 : i32
      %cond3A_351 = arith.cmpi ne, %convert_element_type3A_349, %cond3A_350 : i32
      scf.if %cond3A_351 {
        %dma_wait3A_359 = arith.constant 1 : i32
        %dma_wait3A_360 = arith.constant 1 : i32
        %dma_wait3A_361 = arith.constant 1 : i32
        %dma_wait3A_362 = arith.constant 0 : i32
        %dma_wait3A_363 = arith.constant 0 : i32
        %dma_wait3A_364 = tpu.memref_slice %arg10[%dma_wait3A_359, %dma_wait3A_362, %dma_wait3A_363] : memref<3x80x128xf32, #tpu.memory_space<vmem>> -> memref<1x80x128xf32, #tpu.memory_space<vmem>>
        %dma_wait3A_365 = tpu.memref_squeeze %dma_wait3A_364 : memref<1x80x128xf32, #tpu.memory_space<vmem>> -> memref<80x128xf32, #tpu.memory_space<vmem>>
        %dma_wait3A_366 = arith.constant 0 : i32
        %dma_wait3A_367 = tpu.memref_slice %arg9[%dma_wait3A_360, %dma_wait3A_366] : memref<3x80xi32, #tpu.memory_space<vmem>> -> memref<1x80xi32, #tpu.memory_space<vmem>>
        %dma_wait3A_368 = tpu.memref_squeeze %dma_wait3A_367 : memref<1x80xi32, #tpu.memory_space<vmem>> -> memref<80xi32, #tpu.memory_space<vmem>>
        %dma_wait3A_369 = arith.constant 0 : i32
        %dma_wait3A_370 = arith.constant 0 : i32
        %dma_wait3A_371 = tpu.memref_slice %arg7[%dma_wait3A_369, %dma_wait3A_370] : memref<10240x128xf32, #tpu.memory_space<vmem_shared>> -> memref<10240x128xf32, #tpu.memory_space<vmem_shared>>
        %dma_wait3A_372 = tpu.memref_slice %arg12[%dma_wait3A_361] : memref<3x!tpu.dma_semaphore, #tpu.memory_space<semaphore_mem>> -> memref<1x!tpu.dma_semaphore, #tpu.memory_space<semaphore_mem>>
        %dma_wait3A_373 = tpu.memref_squeeze %dma_wait3A_372 : memref<1x!tpu.dma_semaphore, #tpu.memory_space<semaphore_mem>> -> memref<!tpu.dma_semaphore, #tpu.memory_space<semaphore_mem>>
        tpu.wait_indirect_dma semaphore(%dma_wait3A_373 : memref<!tpu.dma_semaphore, #tpu.memory_space<semaphore_mem>>) src(%dma_wait3A_365 : memref<80x128xf32, #tpu.memory_space<vmem>>) dst(%dma_wait3A_371 : memref<10240x128xf32, #tpu.memory_space<vmem_shared>>)
      } else {
      }
      %add3A_352 = arith.constant 2 : i32
      %add3A_353 = arith.addi %add3A_306, %add3A_352 : i32
      %lt3A_354 = arith.constant 125 : i32
      %lt3A_355 = arith.cmpi slt, %add3A_353, %lt3A_354 : i32
      %convert_element_type3A_356 = arith.extui %lt3A_355 : i1 to i32
      %cond3A_357 = arith.constant 0 : i32
      %cond3A_358 = arith.cmpi ne, %convert_element_type3A_356, %cond3A_357 : i32
      scf.if %cond3A_358 {
        %add3A_359 = arith.constant 2 : i32
        %add3A_360 = arith.addi %add3A_306, %add3A_359 : i32
        %mul3A_361 = arith.constant 80 : i32
        %mul3A_362 = arith.muli %add3A_360, %mul3A_361 : i32
        %multiple_of3A_363 = tpu.assume_multiple %mul3A_362, 8 : i32
        %add3A_364 = arith.addi %mul3A_2, %multiple_of3A_363 : i32
        %dma_start3A_365 = arith.constant 1 : i32
        %dma_start3A_366 = arith.constant 1 : i32
        %dma_start3A_367 = arith.constant 0 : i32
        %dma_start3A_368 = tpu.memref_slice %arg9[%dma_start3A_365, %dma_start3A_367] : memref<3x80xi32, #tpu.memory_space<vmem>> -> memref<1x80xi32, #tpu.memory_space<vmem>>
        %dma_start3A_369 = tpu.memref_squeeze %dma_start3A_368 : memref<1x80xi32, #tpu.memory_space<vmem>> -> memref<80xi32, #tpu.memory_space<vmem>>
        %dma_start3A_370 = tpu.memref_slice %arg4[%add3A_364] : memref<320000xi32, #tpu.memory_space<hbm>> -> memref<80xi32, #tpu.memory_space<hbm>>
        %dma_start3A_371 = tpu.memref_slice %arg13[%dma_start3A_366] : memref<3x!tpu.dma_semaphore, #tpu.memory_space<semaphore_mem>> -> memref<1x!tpu.dma_semaphore, #tpu.memory_space<semaphore_mem>>
        %dma_start3A_372 = tpu.memref_squeeze %dma_start3A_371 : memref<1x!tpu.dma_semaphore, #tpu.memory_space<semaphore_mem>> -> memref<!tpu.dma_semaphore, #tpu.memory_space<semaphore_mem>>
        %dma_start3A_373 = arith.constant 0 : i32
        %dma_start3A_374 = tpu.memref_slice %arg9[%dma_start3A_365, %dma_start3A_373] : memref<3x80xi32, #tpu.memory_space<vmem>> -> memref<1x80xi32, #tpu.memory_space<vmem>>
        %dma_start3A_375 = tpu.memref_squeeze %dma_start3A_374 : memref<1x80xi32, #tpu.memory_space<vmem>> -> memref<80xi32, #tpu.memory_space<vmem>>
        %dma_start3A_376 = tpu.memref_slice %arg4[%add3A_364] : memref<320000xi32, #tpu.memory_space<hbm>> -> memref<80xi32, #tpu.memory_space<hbm>>
        tpu.enqueue_dma source(%dma_start3A_376 : memref<80xi32, #tpu.memory_space<hbm>>) target(%dma_start3A_375 : memref<80xi32, #tpu.memory_space<vmem>>) target_semaphore(%dma_start3A_372 : memref<!tpu.dma_semaphore, #tpu.memory_space<semaphore_mem>>)
        %add3A_377 = arith.constant 2 : i32
        %add3A_378 = arith.addi %add3A_306, %add3A_377 : i32
        %mul3A_379 = arith.constant 80 : i32
        %mul3A_380 = arith.muli %add3A_378, %mul3A_379 : i32
        %multiple_of3A_381 = tpu.assume_multiple %mul3A_380, 8 : i32
        %dma_start3A_382 = arith.constant 1 : i32
        %dma_start3A_383 = arith.constant 1 : i32
        %dma_start3A_384 = arith.constant 0 : i32
        %dma_start3A_385 = arith.constant 0 : i32
        %dma_start3A_386 = tpu.memref_slice %arg10[%dma_start3A_382, %dma_start3A_384, %dma_start3A_385] : memref<3x80x128xf32, #tpu.memory_space<vmem>> -> memref<1x80x128xf32, #tpu.memory_space<vmem>>
        %dma_start3A_387 = tpu.memref_squeeze %dma_start3A_386 : memref<1x80x128xf32, #tpu.memory_space<vmem>> -> memref<80x128xf32, #tpu.memory_space<vmem>>
        %dma_start3A_388 = tpu.memref_slice %arg8[%multiple_of3A_381] : memref<10000xi32, #tpu.memory_space<vmem>> -> memref<80xi32, #tpu.memory_space<vmem>>
        %dma_start3A_389 = arith.constant 0 : i32
        %dma_start3A_390 = arith.constant 0 : i32
        %dma_start3A_391 = tpu.memref_slice %arg2[%dma_start3A_389, %dma_start3A_390] : memref<10000x128xf32, #tpu.memory_space<hbm>> -> memref<10000x128xf32, #tpu.memory_space<hbm>>
        %dma_start3A_392 = tpu.memref_slice %arg11[%dma_start3A_383] : memref<3x!tpu.dma_semaphore, #tpu.memory_space<semaphore_mem>> -> memref<1x!tpu.dma_semaphore, #tpu.memory_space<semaphore_mem>>
        %dma_start3A_393 = tpu.memref_squeeze %dma_start3A_392 : memref<1x!tpu.dma_semaphore, #tpu.memory_space<semaphore_mem>> -> memref<!tpu.dma_semaphore, #tpu.memory_space<semaphore_mem>>
        tpu.enqueue_indirect_dma source(%dma_start3A_391 : memref<10000x128xf32, #tpu.memory_space<hbm>>) target(%dma_start3A_387 : memref<80x128xf32, #tpu.memory_space<vmem>>) offsets(%dma_start3A_388 : memref<80xi32, #tpu.memory_space<vmem>>) semaphore(%dma_start3A_393 : memref<!tpu.dma_semaphore, #tpu.memory_space<semaphore_mem>>)
      } else {
      }
    }
    %scan3A_64 = arith.constant 41 : i32
    %dma_wait3A = arith.constant 0 : i32
    %dma_wait3A_65 = arith.constant 0 : i32
    %dma_wait3A_66 = arith.constant 0 : i32
    %dma_wait3A_67 = arith.constant 0 : i32
    %dma_wait3A_68 = tpu.memref_slice %arg10[%dma_wait3A, %dma_wait3A_66, %dma_wait3A_67] : memref<3x80x128xf32, #tpu.memory_space<vmem>> -> memref<1x80x128xf32, #tpu.memory_space<vmem>>
    %dma_wait3A_69 = tpu.memref_squeeze %dma_wait3A_68 : memref<1x80x128xf32, #tpu.memory_space<vmem>> -> memref<80x128xf32, #tpu.memory_space<vmem>>
    %dma_wait3A_70 = arith.constant 0 : i32
    %dma_wait3A_71 = tpu.memref_slice %arg8[%dma_wait3A_70] : memref<10000xi32, #tpu.memory_space<vmem>> -> memref<80xi32, #tpu.memory_space<vmem>>
    %dma_wait3A_72 = arith.constant 0 : i32
    %dma_wait3A_73 = arith.constant 0 : i32
    %dma_wait3A_74 = tpu.memref_slice %arg2[%dma_wait3A_72, %dma_wait3A_73] : memref<10000x128xf32, #tpu.memory_space<hbm>> -> memref<10000x128xf32, #tpu.memory_space<hbm>>
    %dma_wait3A_75 = tpu.memref_slice %arg11[%dma_wait3A_65] : memref<3x!tpu.dma_semaphore, #tpu.memory_space<semaphore_mem>> -> memref<1x!tpu.dma_semaphore, #tpu.memory_space<semaphore_mem>>
    %dma_wait3A_76 = tpu.memref_squeeze %dma_wait3A_75 : memref<1x!tpu.dma_semaphore, #tpu.memory_space<semaphore_mem>> -> memref<!tpu.dma_semaphore, #tpu.memory_space<semaphore_mem>>
    tpu.wait_indirect_dma semaphore(%dma_wait3A_76 : memref<!tpu.dma_semaphore, #tpu.memory_space<semaphore_mem>>) src(%dma_wait3A_74 : memref<10000x128xf32, #tpu.memory_space<hbm>>) dst(%dma_wait3A_69 : memref<80x128xf32, #tpu.memory_space<vmem>>)
    %dma_wait3A_77 = arith.constant 0 : i32
    %dma_wait3A_78 = arith.constant 0 : i32
    %dma_wait3A_79 = arith.constant 0 : i32
    %dma_wait3A_80 = tpu.memref_slice %arg9[%dma_wait3A_77, %dma_wait3A_79] : memref<3x80xi32, #tpu.memory_space<vmem>> -> memref<1x80xi32, #tpu.memory_space<vmem>>
    %dma_wait3A_81 = tpu.memref_squeeze %dma_wait3A_80 : memref<1x80xi32, #tpu.memory_space<vmem>> -> memref<80xi32, #tpu.memory_space<vmem>>
    %dma_wait3A_82 = tpu.memref_slice %arg4[%mul3A_2] : memref<320000xi32, #tpu.memory_space<hbm>> -> memref<80xi32, #tpu.memory_space<hbm>>
    %dma_wait3A_83 = tpu.memref_slice %arg13[%dma_wait3A_78] : memref<3x!tpu.dma_semaphore, #tpu.memory_space<semaphore_mem>> -> memref<1x!tpu.dma_semaphore, #tpu.memory_space<semaphore_mem>>
    %dma_wait3A_84 = tpu.memref_squeeze %dma_wait3A_83 : memref<1x!tpu.dma_semaphore, #tpu.memory_space<semaphore_mem>> -> memref<!tpu.dma_semaphore, #tpu.memory_space<semaphore_mem>>
    %dma_wait3A_85 = arith.constant 0 : i32
    %dma_wait3A_86 = tpu.memref_slice %arg9[%dma_wait3A_77, %dma_wait3A_85] : memref<3x80xi32, #tpu.memory_space<vmem>> -> memref<1x80xi32, #tpu.memory_space<vmem>>
    %dma_wait3A_87 = tpu.memref_squeeze %dma_wait3A_86 : memref<1x80xi32, #tpu.memory_space<vmem>> -> memref<80xi32, #tpu.memory_space<vmem>>
    %dma_wait3A_88 = tpu.memref_slice %arg4[%mul3A_2] : memref<320000xi32, #tpu.memory_space<hbm>> -> memref<80xi32, #tpu.memory_space<hbm>>
    tpu.wait_dma2 semaphore(%dma_wait3A_84 : memref<!tpu.dma_semaphore, #tpu.memory_space<semaphore_mem>>) src(%dma_wait3A_88 : memref<80xi32, #tpu.memory_space<hbm>>) dst(%dma_wait3A_87 : memref<80xi32, #tpu.memory_space<vmem>>)
    %dma_start3A_89 = arith.constant 0 : i32
    %dma_start3A_90 = arith.constant 0 : i32
    %dma_start3A_91 = arith.constant 0 : i32
    %dma_start3A_92 = arith.constant 0 : i32
    %dma_start3A_93 = arith.constant 0 : i32
    %dma_start3A_94 = tpu.memref_slice %arg10[%dma_start3A_89, %dma_start3A_92, %dma_start3A_93] : memref<3x80x128xf32, #tpu.memory_space<vmem>> -> memref<1x80x128xf32, #tpu.memory_space<vmem>>
    %dma_start3A_95 = tpu.memref_squeeze %dma_start3A_94 : memref<1x80x128xf32, #tpu.memory_space<vmem>> -> memref<80x128xf32, #tpu.memory_space<vmem>>
    %dma_start3A_96 = arith.constant 0 : i32
    %dma_start3A_97 = tpu.memref_slice %arg9[%dma_start3A_90, %dma_start3A_96] : memref<3x80xi32, #tpu.memory_space<vmem>> -> memref<1x80xi32, #tpu.memory_space<vmem>>
    %dma_start3A_98 = tpu.memref_squeeze %dma_start3A_97 : memref<1x80xi32, #tpu.memory_space<vmem>> -> memref<80xi32, #tpu.memory_space<vmem>>
    %dma_start3A_99 = arith.constant 0 : i32
    %dma_start3A_100 = arith.constant 0 : i32
    %dma_start3A_101 = tpu.memref_slice %arg7[%dma_start3A_99, %dma_start3A_100] : memref<10240x128xf32, #tpu.memory_space<vmem_shared>> -> memref<10240x128xf32, #tpu.memory_space<vmem_shared>>
    %dma_start3A_102 = tpu.memref_slice %arg12[%dma_start3A_91] : memref<3x!tpu.dma_semaphore, #tpu.memory_space<semaphore_mem>> -> memref<1x!tpu.dma_semaphore, #tpu.memory_space<semaphore_mem>>
    %dma_start3A_103 = tpu.memref_squeeze %dma_start3A_102 : memref<1x!tpu.dma_semaphore, #tpu.memory_space<semaphore_mem>> -> memref<!tpu.dma_semaphore, #tpu.memory_space<semaphore_mem>>
    tpu.enqueue_indirect_dma source(%dma_start3A_95 : memref<80x128xf32, #tpu.memory_space<vmem>>) target(%dma_start3A_101 : memref<10240x128xf32, #tpu.memory_space<vmem_shared>>) offsets(%dma_start3A_98 : memref<80xi32, #tpu.memory_space<vmem>>) semaphore(%dma_start3A_103 : memref<!tpu.dma_semaphore, #tpu.memory_space<semaphore_mem>>) {add = true}
    %dma_wait3A_104 = arith.constant 2 : i32
    %dma_wait3A_105 = arith.constant 2 : i32
    %dma_wait3A_106 = arith.constant 2 : i32
    %dma_wait3A_107 = arith.constant 0 : i32
    %dma_wait3A_108 = arith.constant 0 : i32
    %dma_wait3A_109 = tpu.memref_slice %arg10[%dma_wait3A_104, %dma_wait3A_107, %dma_wait3A_108] : memref<3x80x128xf32, #tpu.memory_space<vmem>> -> memref<1x80x128xf32, #tpu.memory_space<vmem>>
    %dma_wait3A_110 = tpu.memref_squeeze %dma_wait3A_109 : memref<1x80x128xf32, #tpu.memory_space<vmem>> -> memref<80x128xf32, #tpu.memory_space<vmem>>
    %dma_wait3A_111 = arith.constant 0 : i32
    %dma_wait3A_112 = tpu.memref_slice %arg9[%dma_wait3A_105, %dma_wait3A_111] : memref<3x80xi32, #tpu.memory_space<vmem>> -> memref<1x80xi32, #tpu.memory_space<vmem>>
    %dma_wait3A_113 = tpu.memref_squeeze %dma_wait3A_112 : memref<1x80xi32, #tpu.memory_space<vmem>> -> memref<80xi32, #tpu.memory_space<vmem>>
    %dma_wait3A_114 = arith.constant 0 : i32
    %dma_wait3A_115 = arith.constant 0 : i32
    %dma_wait3A_116 = tpu.memref_slice %arg7[%dma_wait3A_114, %dma_wait3A_115] : memref<10240x128xf32, #tpu.memory_space<vmem_shared>> -> memref<10240x128xf32, #tpu.memory_space<vmem_shared>>
    %dma_wait3A_117 = tpu.memref_slice %arg12[%dma_wait3A_106] : memref<3x!tpu.dma_semaphore, #tpu.memory_space<semaphore_mem>> -> memref<1x!tpu.dma_semaphore, #tpu.memory_space<semaphore_mem>>
    %dma_wait3A_118 = tpu.memref_squeeze %dma_wait3A_117 : memref<1x!tpu.dma_semaphore, #tpu.memory_space<semaphore_mem>> -> memref<!tpu.dma_semaphore, #tpu.memory_space<semaphore_mem>>
    tpu.wait_indirect_dma semaphore(%dma_wait3A_118 : memref<!tpu.dma_semaphore, #tpu.memory_space<semaphore_mem>>) src(%dma_wait3A_110 : memref<80x128xf32, #tpu.memory_space<vmem>>) dst(%dma_wait3A_116 : memref<10240x128xf32, #tpu.memory_space<vmem_shared>>)
    %dma_wait3A_119 = arith.constant 1 : i32
    %dma_wait3A_120 = arith.constant 1 : i32
    %dma_wait3A_121 = arith.constant 0 : i32
    %dma_wait3A_122 = arith.constant 0 : i32
    %dma_wait3A_123 = tpu.memref_slice %arg10[%dma_wait3A_119, %dma_wait3A_121, %dma_wait3A_122] : memref<3x80x128xf32, #tpu.memory_space<vmem>> -> memref<1x80x128xf32, #tpu.memory_space<vmem>>
    %dma_wait3A_124 = tpu.memref_squeeze %dma_wait3A_123 : memref<1x80x128xf32, #tpu.memory_space<vmem>> -> memref<80x128xf32, #tpu.memory_space<vmem>>
    %dma_wait3A_125 = arith.constant 0 : i32
    %dma_wait3A_126 = tpu.memref_slice %arg8[%dma_wait3A_125] : memref<10000xi32, #tpu.memory_space<vmem>> -> memref<80xi32, #tpu.memory_space<vmem>>
    %dma_wait3A_127 = arith.constant 0 : i32
    %dma_wait3A_128 = arith.constant 0 : i32
    %dma_wait3A_129 = tpu.memref_slice %arg2[%dma_wait3A_127, %dma_wait3A_128] : memref<10000x128xf32, #tpu.memory_space<hbm>> -> memref<10000x128xf32, #tpu.memory_space<hbm>>
    %dma_wait3A_130 = tpu.memref_slice %arg11[%dma_wait3A_120] : memref<3x!tpu.dma_semaphore, #tpu.memory_space<semaphore_mem>> -> memref<1x!tpu.dma_semaphore, #tpu.memory_space<semaphore_mem>>
    %dma_wait3A_131 = tpu.memref_squeeze %dma_wait3A_130 : memref<1x!tpu.dma_semaphore, #tpu.memory_space<semaphore_mem>> -> memref<!tpu.dma_semaphore, #tpu.memory_space<semaphore_mem>>
    tpu.wait_indirect_dma semaphore(%dma_wait3A_131 : memref<!tpu.dma_semaphore, #tpu.memory_space<semaphore_mem>>) src(%dma_wait3A_129 : memref<10000x128xf32, #tpu.memory_space<hbm>>) dst(%dma_wait3A_124 : memref<80x128xf32, #tpu.memory_space<vmem>>)
    %dma_wait3A_132 = arith.constant 1 : i32
    %dma_wait3A_133 = arith.constant 1 : i32
    %dma_wait3A_134 = arith.constant 0 : i32
    %dma_wait3A_135 = tpu.memref_slice %arg9[%dma_wait3A_132, %dma_wait3A_134] : memref<3x80xi32, #tpu.memory_space<vmem>> -> memref<1x80xi32, #tpu.memory_space<vmem>>
    %dma_wait3A_136 = tpu.memref_squeeze %dma_wait3A_135 : memref<1x80xi32, #tpu.memory_space<vmem>> -> memref<80xi32, #tpu.memory_space<vmem>>
    %dma_wait3A_137 = tpu.memref_slice %arg4[%mul3A_2] : memref<320000xi32, #tpu.memory_space<hbm>> -> memref<80xi32, #tpu.memory_space<hbm>>
    %dma_wait3A_138 = tpu.memref_slice %arg13[%dma_wait3A_133] : memref<3x!tpu.dma_semaphore, #tpu.memory_space<semaphore_mem>> -> memref<1x!tpu.dma_semaphore, #tpu.memory_space<semaphore_mem>>
    %dma_wait3A_139 = tpu.memref_squeeze %dma_wait3A_138 : memref<1x!tpu.dma_semaphore, #tpu.memory_space<semaphore_mem>> -> memref<!tpu.dma_semaphore, #tpu.memory_space<semaphore_mem>>
    %dma_wait3A_140 = arith.constant 0 : i32
    %dma_wait3A_141 = tpu.memref_slice %arg9[%dma_wait3A_132, %dma_wait3A_140] : memref<3x80xi32, #tpu.memory_space<vmem>> -> memref<1x80xi32, #tpu.memory_space<vmem>>
    %dma_wait3A_142 = tpu.memref_squeeze %dma_wait3A_141 : memref<1x80xi32, #tpu.memory_space<vmem>> -> memref<80xi32, #tpu.memory_space<vmem>>
    %dma_wait3A_143 = tpu.memref_slice %arg4[%mul3A_2] : memref<320000xi32, #tpu.memory_space<hbm>> -> memref<80xi32, #tpu.memory_space<hbm>>
    tpu.wait_dma2 semaphore(%dma_wait3A_139 : memref<!tpu.dma_semaphore, #tpu.memory_space<semaphore_mem>>) src(%dma_wait3A_143 : memref<80xi32, #tpu.memory_space<hbm>>) dst(%dma_wait3A_142 : memref<80xi32, #tpu.memory_space<vmem>>)
    %dma_start3A_144 = arith.constant 1 : i32
    %dma_start3A_145 = arith.constant 1 : i32
    %dma_start3A_146 = arith.constant 1 : i32
    %dma_start3A_147 = arith.constant 0 : i32
    %dma_start3A_148 = arith.constant 0 : i32
    %dma_start3A_149 = tpu.memref_slice %arg10[%dma_start3A_144, %dma_start3A_147, %dma_start3A_148] : memref<3x80x128xf32, #tpu.memory_space<vmem>> -> memref<1x80x128xf32, #tpu.memory_space<vmem>>
    %dma_start3A_150 = tpu.memref_squeeze %dma_start3A_149 : memref<1x80x128xf32, #tpu.memory_space<vmem>> -> memref<80x128xf32, #tpu.memory_space<vmem>>
    %dma_start3A_151 = arith.constant 0 : i32
    %dma_start3A_152 = tpu.memref_slice %arg9[%dma_start3A_145, %dma_start3A_151] : memref<3x80xi32, #tpu.memory_space<vmem>> -> memref<1x80xi32, #tpu.memory_space<vmem>>
    %dma_start3A_153 = tpu.memref_squeeze %dma_start3A_152 : memref<1x80xi32, #tpu.memory_space<vmem>> -> memref<80xi32, #tpu.memory_space<vmem>>
    %dma_start3A_154 = arith.constant 0 : i32
    %dma_start3A_155 = arith.constant 0 : i32
    %dma_start3A_156 = tpu.memref_slice %arg7[%dma_start3A_154, %dma_start3A_155] : memref<10240x128xf32, #tpu.memory_space<vmem_shared>> -> memref<10240x128xf32, #tpu.memory_space<vmem_shared>>
    %dma_start3A_157 = tpu.memref_slice %arg12[%dma_start3A_146] : memref<3x!tpu.dma_semaphore, #tpu.memory_space<semaphore_mem>> -> memref<1x!tpu.dma_semaphore, #tpu.memory_space<semaphore_mem>>
    %dma_start3A_158 = tpu.memref_squeeze %dma_start3A_157 : memref<1x!tpu.dma_semaphore, #tpu.memory_space<semaphore_mem>> -> memref<!tpu.dma_semaphore, #tpu.memory_space<semaphore_mem>>
    tpu.enqueue_indirect_dma source(%dma_start3A_150 : memref<80x128xf32, #tpu.memory_space<vmem>>) target(%dma_start3A_156 : memref<10240x128xf32, #tpu.memory_space<vmem_shared>>) offsets(%dma_start3A_153 : memref<80xi32, #tpu.memory_space<vmem>>) semaphore(%dma_start3A_158 : memref<!tpu.dma_semaphore, #tpu.memory_space<semaphore_mem>>) {add = true}
    %dma_wait3A_159 = arith.constant 0 : i32
    %dma_wait3A_160 = arith.constant 0 : i32
    %dma_wait3A_161 = arith.constant 0 : i32
    %dma_wait3A_162 = arith.constant 0 : i32
    %dma_wait3A_163 = arith.constant 0 : i32
    %dma_wait3A_164 = tpu.memref_slice %arg10[%dma_wait3A_159, %dma_wait3A_162, %dma_wait3A_163] : memref<3x80x128xf32, #tpu.memory_space<vmem>> -> memref<1x80x128xf32, #tpu.memory_space<vmem>>
    %dma_wait3A_165 = tpu.memref_squeeze %dma_wait3A_164 : memref<1x80x128xf32, #tpu.memory_space<vmem>> -> memref<80x128xf32, #tpu.memory_space<vmem>>
    %dma_wait3A_166 = arith.constant 0 : i32
    %dma_wait3A_167 = tpu.memref_slice %arg9[%dma_wait3A_160, %dma_wait3A_166] : memref<3x80xi32, #tpu.memory_space<vmem>> -> memref<1x80xi32, #tpu.memory_space<vmem>>
    %dma_wait3A_168 = tpu.memref_squeeze %dma_wait3A_167 : memref<1x80xi32, #tpu.memory_space<vmem>> -> memref<80xi32, #tpu.memory_space<vmem>>
    %dma_wait3A_169 = arith.constant 0 : i32
    %dma_wait3A_170 = arith.constant 0 : i32
    %dma_wait3A_171 = tpu.memref_slice %arg7[%dma_wait3A_169, %dma_wait3A_170] : memref<10240x128xf32, #tpu.memory_space<vmem_shared>> -> memref<10240x128xf32, #tpu.memory_space<vmem_shared>>
    %dma_wait3A_172 = tpu.memref_slice %arg12[%dma_wait3A_161] : memref<3x!tpu.dma_semaphore, #tpu.memory_space<semaphore_mem>> -> memref<1x!tpu.dma_semaphore, #tpu.memory_space<semaphore_mem>>
    %dma_wait3A_173 = tpu.memref_squeeze %dma_wait3A_172 : memref<1x!tpu.dma_semaphore, #tpu.memory_space<semaphore_mem>> -> memref<!tpu.dma_semaphore, #tpu.memory_space<semaphore_mem>>
    tpu.wait_indirect_dma semaphore(%dma_wait3A_173 : memref<!tpu.dma_semaphore, #tpu.memory_space<semaphore_mem>>) src(%dma_wait3A_165 : memref<80x128xf32, #tpu.memory_space<vmem>>) dst(%dma_wait3A_171 : memref<10240x128xf32, #tpu.memory_space<vmem_shared>>)
    %dma_wait3A_174 = arith.constant 1 : i32
    %dma_wait3A_175 = arith.constant 1 : i32
    %dma_wait3A_176 = arith.constant 1 : i32
    %dma_wait3A_177 = arith.constant 0 : i32
    %dma_wait3A_178 = arith.constant 0 : i32
    %dma_wait3A_179 = tpu.memref_slice %arg10[%dma_wait3A_174, %dma_wait3A_177, %dma_wait3A_178] : memref<3x80x128xf32, #tpu.memory_space<vmem>> -> memref<1x80x128xf32, #tpu.memory_space<vmem>>
    %dma_wait3A_180 = tpu.memref_squeeze %dma_wait3A_179 : memref<1x80x128xf32, #tpu.memory_space<vmem>> -> memref<80x128xf32, #tpu.memory_space<vmem>>
    %dma_wait3A_181 = arith.constant 0 : i32
    %dma_wait3A_182 = tpu.memref_slice %arg9[%dma_wait3A_175, %dma_wait3A_181] : memref<3x80xi32, #tpu.memory_space<vmem>> -> memref<1x80xi32, #tpu.memory_space<vmem>>
    %dma_wait3A_183 = tpu.memref_squeeze %dma_wait3A_182 : memref<1x80xi32, #tpu.memory_space<vmem>> -> memref<80xi32, #tpu.memory_space<vmem>>
    %dma_wait3A_184 = arith.constant 0 : i32
    %dma_wait3A_185 = arith.constant 0 : i32
    %dma_wait3A_186 = tpu.memref_slice %arg7[%dma_wait3A_184, %dma_wait3A_185] : memref<10240x128xf32, #tpu.memory_space<vmem_shared>> -> memref<10240x128xf32, #tpu.memory_space<vmem_shared>>
    %dma_wait3A_187 = tpu.memref_slice %arg12[%dma_wait3A_176] : memref<3x!tpu.dma_semaphore, #tpu.memory_space<semaphore_mem>> -> memref<1x!tpu.dma_semaphore, #tpu.memory_space<semaphore_mem>>
    %dma_wait3A_188 = tpu.memref_squeeze %dma_wait3A_187 : memref<1x!tpu.dma_semaphore, #tpu.memory_space<semaphore_mem>> -> memref<!tpu.dma_semaphore, #tpu.memory_space<semaphore_mem>>
    tpu.wait_indirect_dma semaphore(%dma_wait3A_188 : memref<!tpu.dma_semaphore, #tpu.memory_space<semaphore_mem>>) src(%dma_wait3A_180 : memref<80x128xf32, #tpu.memory_space<vmem>>) dst(%dma_wait3A_186 : memref<10240x128xf32, #tpu.memory_space<vmem_shared>>)
    %barrier3A_189 = arith.constant 0 : index
    tpu.barrier barrier_id(%barrier3A_189)
    %mul3A_190 = arith.constant 640 : i32
    %mul3A_191 = arith.muli %arg1, %mul3A_190 : i32
    %mul3A_192 = arith.constant 640 : i32
    %mul3A_193 = arith.muli %arg1, %mul3A_192 : i32
    "tpu.region"() ({
      %run_scoped3A = tpu.sem_alloc : memref<!tpu.dma_semaphore, #tpu.memory_space<semaphore_mem>>
      %dma_start3A_194 = arith.constant 0 : i32
      %dma_start3A_195 = tpu.memref_slice %arg6[%arg0, %mul3A_193, %dma_start3A_194] : memref<2x10240x128xf32, #tpu.memory_space<hbm>> -> memref<1x640x128xf32, #tpu.memory_space<hbm>>
      %dma_start3A_196 = tpu.memref_squeeze %dma_start3A_195 : memref<1x640x128xf32, #tpu.memory_space<hbm>> -> memref<640x128xf32, #tpu.memory_space<hbm>>
      %dma_start3A_197 = arith.constant 0 : i32
      %dma_start3A_198 = tpu.memref_slice %arg7[%mul3A_191, %dma_start3A_197] : memref<10240x128xf32, #tpu.memory_space<vmem_shared>> -> memref<640x128xf32, #tpu.memory_space<vmem_shared>>
      tpu.enqueue_dma source(%dma_start3A_198 : memref<640x128xf32, #tpu.memory_space<vmem_shared>>) target(%dma_start3A_196 : memref<640x128xf32, #tpu.memory_space<hbm>>) target_semaphore(%run_scoped3A : memref<!tpu.dma_semaphore, #tpu.memory_space<semaphore_mem>>)
      %dma_wait3A_199 = arith.constant 0 : i32
      %dma_wait3A_200 = tpu.memref_slice %arg6[%arg0, %mul3A_193, %dma_wait3A_199] : memref<2x10240x128xf32, #tpu.memory_space<hbm>> -> memref<1x640x128xf32, #tpu.memory_space<hbm>>
      %dma_wait3A_201 = tpu.memref_squeeze %dma_wait3A_200 : memref<1x640x128xf32, #tpu.memory_space<hbm>> -> memref<640x128xf32, #tpu.memory_space<hbm>>
      %dma_wait3A_202 = arith.constant 0 : i32
      %dma_wait3A_203 = tpu.memref_slice %arg7[%mul3A_191, %dma_wait3A_202] : memref<10240x128xf32, #tpu.memory_space<vmem_shared>> -> memref<640x128xf32, #tpu.memory_space<vmem_shared>>
      tpu.wait_dma2 semaphore(%run_scoped3A : memref<!tpu.dma_semaphore, #tpu.memory_space<semaphore_mem>>) src(%dma_wait3A_203 : memref<640x128xf32, #tpu.memory_space<vmem_shared>>) dst(%dma_wait3A_201 : memref<640x128xf32, #tpu.memory_space<hbm>>)
      tpu.yield
    }) : () -> ()
    return
  }
}

module attributes {stable_mosaic.version = 14 : i64} {
  func.func @body(%arg0: i32, %arg1: memref<400x128xf32, #tpu.memory_space<vmem>>, %arg2: memref<2x400x128xf32, #tpu.memory_space<vmem>>, %arg3: memref<128x128xf32, #tpu.memory_space<vmem>>, %arg4: memref<128x128xf32, #tpu.memory_space<vmem>>, %arg5: memref<1x128xf32, #tpu.memory_space<vmem>>, %arg6: memref<400x128xf32, #tpu.memory_space<vmem>>) attributes {dimension_semantics = [#tpu.dimension_semantics<arbitrary>], iteration_bounds = array<i64: 25>, scalar_prefetch = 0 : i64, scratch_operands = 0 : i64, tpu.core_type = #tpu.core_type<tc>, window_params = [{transform_indices = @transform_0, window_bounds = array<i64: 400, 128>}, {transform_indices = @transform_1, window_bounds = array<i64: 2, 400, 128>}, {pipeline_mode = #tpu.pipeline_mode<synchronous>, transform_indices = @transform_2, window_bounds = array<i64: 128, 128>}, {pipeline_mode = #tpu.pipeline_mode<synchronous>, transform_indices = @transform_3, window_bounds = array<i64: 128, 128>}, {pipeline_mode = #tpu.pipeline_mode<synchronous>, transform_indices = @transform_4, window_bounds = array<i64: 1, 128>}, {transform_indices = @transform_5, window_bounds = array<i64: 400, 128>}]} {
    %get3A = arith.constant 0 : index
    %get3A_0 = arith.constant 0 : index
    %get3A_1 = arith.constant 0 : index
    %get3A_2 = vector.load %arg2[%get3A, %get3A_0, %get3A_1] : memref<2x400x128xf32, #tpu.memory_space<vmem>>, vector<1x400x128xf32>
    %get3A_3 = vector.shape_cast %get3A_2 : vector<1x400x128xf32> to vector<400x128xf32>
    %get3A_4 = arith.constant 1 : index
    %get3A_5 = arith.constant 0 : index
    %get3A_6 = arith.constant 0 : index
    %get3A_7 = vector.load %arg2[%get3A_4, %get3A_5, %get3A_6] : memref<2x400x128xf32, #tpu.memory_space<vmem>>, vector<1x400x128xf32>
    %get3A_8 = vector.shape_cast %get3A_7 : vector<1x400x128xf32> to vector<400x128xf32>
    %add3A = arith.addf %get3A_3, %get3A_8 : vector<400x128xf32>
    %get3A_9 = arith.constant 0 : index
    %get3A_10 = arith.constant 0 : index
    %get3A_11 = vector.load %arg1[%get3A_9, %get3A_10] : memref<400x128xf32, #tpu.memory_space<vmem>>, vector<400x128xf32>
    %get3A_12 = arith.constant 0 : index
    %get3A_13 = arith.constant 0 : index
    %get3A_14 = vector.load %arg3[%get3A_12, %get3A_13] : memref<128x128xf32, #tpu.memory_space<vmem>>, vector<128x128xf32>
    %dot_general3A = arith.constant dense<0.000000e+00> : vector<400x128xf32>
    %dot_general3A_15 = tpu.matmul %get3A_11, %get3A_14, %dot_general3A {dimension_numbers = #tpu.dot_dimension_numbers<[1], [1], [0], [0], [0, 0, 1, 0], [], []>, transpose_lhs_hint = false} : vector<400x128xf32>, vector<128x128xf32>, vector<400x128xf32> -> vector<400x128xf32>
    %get3A_16 = arith.constant 0 : index
    %get3A_17 = arith.constant 0 : index
    %get3A_18 = vector.load %arg4[%get3A_16, %get3A_17] : memref<128x128xf32, #tpu.memory_space<vmem>>, vector<128x128xf32>
    %dot_general3A_19 = arith.constant dense<0.000000e+00> : vector<400x128xf32>
    %dot_general3A_20 = tpu.matmul %add3A, %get3A_18, %dot_general3A_19 {dimension_numbers = #tpu.dot_dimension_numbers<[1], [1], [0], [0], [0, 0, 1, 0], [], []>, transpose_lhs_hint = false} : vector<400x128xf32>, vector<128x128xf32>, vector<400x128xf32> -> vector<400x128xf32>
    %add3A_21 = arith.addf %dot_general3A_15, %dot_general3A_20 : vector<400x128xf32>
    %get3A_22 = arith.constant 0 : index
    %get3A_23 = arith.constant 0 : index
    %get3A_24 = vector.load %arg5[%get3A_22, %get3A_23] : memref<1x128xf32, #tpu.memory_space<vmem>>, vector<1x128xf32>
    %add3A_25 = vector.broadcast %get3A_24 : vector<1x128xf32> to vector<400x128xf32>
    %add3A_26 = arith.addf %add3A_21, %add3A_25 : vector<400x128xf32>
    %swap3A = arith.constant 0 : index
    %swap3A_27 = arith.constant 0 : index
    %swap3A_28 = vector.load %arg6[%swap3A, %swap3A_27] : memref<400x128xf32, #tpu.memory_space<vmem>>, vector<400x128xf32>
    tpu.vector_store %arg6[%swap3A, %swap3A_27], %add3A_26 {strides = array<i32>} : memref<400x128xf32, #tpu.memory_space<vmem>>, vector<400x128xf32>,
    return
  }
  func.func @transform_0(%arg0: i32) -> (i32, i32) {
    %c0_i32 = arith.constant 0 : i32
    %c0_i32_0 = arith.constant 0 : i32
    return %arg0, %c0_i32 : i32, i32
  }
  func.func @transform_1(%arg0: i32) -> (i32, i32, i32) {
    %c0_i32 = arith.constant 0 : i32
    %c0_i32_0 = arith.constant 0 : i32
    %c0_i32_1 = arith.constant 0 : i32
    return %c0_i32, %arg0, %c0_i32_0 : i32, i32, i32
  }
  func.func @transform_2(%arg0: i32) -> (i32, i32) {
    %c0_i32 = arith.constant 0 : i32
    %c0_i32_0 = arith.constant 0 : i32
    %c0_i32_1 = arith.constant 0 : i32
    return %c0_i32, %c0_i32_0 : i32, i32
  }
  func.func @transform_3(%arg0: i32) -> (i32, i32) {
    %c0_i32 = arith.constant 0 : i32
    %c0_i32_0 = arith.constant 0 : i32
    %c0_i32_1 = arith.constant 0 : i32
    return %c0_i32, %c0_i32_0 : i32, i32
  }
  func.func @transform_4(%arg0: i32) -> (i32, i32) {
    %c0_i32 = arith.constant 0 : i32
    %c0_i32_0 = arith.constant 0 : i32
    %c0_i32_1 = arith.constant 0 : i32
    return %c0_i32, %c0_i32_0 : i32, i32
  }
  func.func @transform_5(%arg0: i32) -> (i32, i32) {
    %c0_i32 = arith.constant 0 : i32
    %c0_i32_0 = arith.constant 0 : i32
    return %arg0, %c0_i32 : i32, i32
  }
}

</mosaic_0001>

<sc_bundles>
// kernel: kernel.4.cloned.1.call-start
scs
__scs_entry_jumppad:
0x0: {  	(pc) =	sbr.rel $0x88, $3  }
0x1: {  	(tag) =	ssettag $0x0;
	lr =	simm.s32 $0x1  }
0x2: {  	[smem:$0x3F9B] =	sst lr;
	_ =	strace $0xD0000000  }
0x3: {  	_ = 	snop  }
0x4: {  	_ = 	snop  }
0x5: {  	_ = 	snop  }
0x6: {  	_ = 	snop  }
0x7: {  	_ = 	snop  }
__scs_overlays_trampoline_lowered:
0x8: {  	[smem:$0x3FAA] =	sst s0  }
0x9: {  	[smem:$0x3FAB] =	sst s1  }
0xa: {  	[smem:$0x3FAC] =	sst s2  }
0xb: {  	[smem:$0x3FAD] =	sst s3  }
0xc: {  	[smem:$0x3FAE] =	sst s4  }
0xd: {  	[smem:$0x3FAF] =	sst s5  }
0xe: {  	[smem:$0x3FB0] =	sst s6  }
0xf: {  	[smem:$0x3FB1] =	sst s7  }
0x10: {  	[smem:$0x3FB2] =	sst s8  }
0x11: {  	[smem:$0x3FB3] =	sst s9;
	s0 =	simm.s32 @!p0 $0x0  }
0x12: {  	s1 =	sld [smem:$0x3F99];
	s0 =	simm.s32 @p0 $0x1  }
0x13: {  	[smem:$0x3FB4] =	sst s0;
	s0 =	simm.s32 @!p1 $0x0  }
0x14: {  	s2 =	sld [smem:$0x3F98];
	s0 =	simm.s32 @p1 $0x1  }
0x15: {  	[smem:$0x3FB5] =	sst s0;
	s0 =	simm.s32 @!p2 $0x0  }
0x16: {  	s3 =	sld [smem:$0x3FDB];
	s0 =	simm.s32 @p2 $0x1  }
0x17: {  	s4 =	simm.s32 $0x1BF5;
	[smem:$0x3FB7] =	sst s0  }
0x18: {  	s0 =	sld [smem:$0x3F9A];
	_ =	swait.ge [sflag:s4], $0x0  }
0x19: {  	s7 =	sld [smem:$0x3F9B]  }
0x1a: {  	s8 =	sadd.s32 $0xFFFFE003, lr  }
0x1b: {  	s9 =	sadd.s32 $0xFFFFFEF7, lr;
	s5 =	simm.s32 $0xFFFFFFFF;
	p2 =	slt.u32 s8, $0xFFFFF086  }
0x1c: {  	p1 =	slt.u32 s9, $0xF7A;
	s5 =	simm.s32 @!p2 $0x0  }
0x1d: {  	s5 =	simm.s32 @p1 $0x1;
	p0 =	seq.s32 s7, s2  }
0x1e: {  	s7 =	smul.u32 @!p0 $0xF7A, s2;
	p2 =	seq.s32 @!p0 s5, $0x0  }
0x1f: {  	s9 =	smul.u32 $0xF7A, s1;
	s8 =	simm.s32 @!p0 $0x1BF5;
	p2 =	por !p2, p0  }
0x20: {  	[sflag:s8] =	ssyncset.s32 @!p0 $0xFFFFF086;
	s6 =	sadd.s32 @!p0 s3, s7;
	s7 =	simm.s32 @!p0 $0x108  }
0x21: {  	s3 =	sadd.s32 s3, s9;
	s6 =	sadd.s32 @!p0 $0x88, s6;
	s7 =	simm.s32 @p2 $0x1082  }
0x22: {  	[simem:s7], [sflag:s8] =	dma.local @!p0 [hbm:s6], $0xF7A  }
0x23: {  	s9 =	sor.u32 $0xD0000000, s2;
	s6 =	simm.s32 $0x108;
	_ =	swait.ge @!p0 [sflag:s8], $0x0  }
0x24: {  	s3 =	sadd.s32 $0x88, s3;
	s6 =	simm.s32 @!p1 $0x1082;
	[sflag:s4] =	ssyncset.s32 $0xFFFFF086  }
0x25: {  	[simem:s6], [sflag:s4] =	dma.local [hbm:s3], $0xF7A  }
0x26: {  	[smem:$0x3F9B] =	sst s1;
	(tag) =	ssettag s2;
	_ =	strace s9  }
0x27: {  	s1 =	sld [smem:$0x3FAB]  }
0x28: {  	s2 =	sld [smem:$0x3FAC]  }
0x29: {  	s4 =	sld [smem:$0x3FAE]  }
0x2a: {  	p0 =	seq.s32 s5, $0x0;
	s5 =	sld [smem:$0x3FAF]  }
0x2b: {  	s6 =	sld [smem:$0x3FB0]  }
0x2c: {  	s7 =	sld [smem:$0x3FB1]  }
0x2d: {  	s3 =	simm.s32 $0x108;
	s8 =	sld [smem:$0x3FB2]  }
0x2e: {  	s3 =	simm.s32 @!p0 $0x1082;
	s9 =	sld [smem:$0x3FB3]  }
0x2f: {  	lr =	sadd.s32 s0, s3;
	s0 =	sld [smem:$0x3FAA]  }
0x30: {  	s3 =	sld [smem:$0x3FAD]  }
0x31: {  	[smem:$0x3FB6] =	sst s10  }
0x32: {  	s10 =	sld [smem:$0x3FB4];
	_ =	sdelay $0x3  }
0x33: {  	p0 =	seq.s32 s10, $0x1;
	s10 =	sld [smem:$0x3FB6];
	_ =	sdelay $0x3  }
0x34: {  	[smem:$0x3FB6] =	sst s10  }
0x35: {  	s10 =	sld [smem:$0x3FB5];
	_ =	sdelay $0x3  }
0x36: {  	p1 =	seq.s32 s10, $0x1;
	s10 =	sld [smem:$0x3FB6];
	_ =	sdelay $0x3  }
0x37: {  	[smem:$0x3FB6] =	sst s10  }
0x38: {  	s10 =	sld [smem:$0x3FB7]  }
0x39: {  	_ = 	snop;
	(pc) =	sbr.ind lr, $3  }
0x3a: {  	_ = 	snop  }
0x3b: {  	_ = 	snop  }
0x3c: {  	p2 =	seq.s32 s10, $0x1;
	s10 =	sld [smem:$0x3FB6]  }
0x3d: {  	_ =	shalt  }
0x3e: {  	_ =	shalt  }
0x3f: {  	_ =	shalt  }
0x40: {  	_ =	shalt  }
0x41: {  	_ =	shalt  }
0x42: {  	_ =	shalt  }
0x43: {  	_ =	shalt  }
0x44: {  	_ =	shalt  }
0x45: {  	_ =	shalt  }
0x46: {  	_ =	shalt  }
0x47: {  	_ =	shalt  }
0x48: {  	_ =	shalt  }
0x49: {  	_ =	shalt  }
0x4a: {  	_ =	shalt  }
0x4b: {  	_ =	shalt  }
0x4c: {  	_ =	shalt  }
0x4d: {  	_ =	shalt  }
0x4e: {  	_ =	shalt  }
0x4f: {  	_ =	shalt  }
0x50: {  	_ =	shalt  }
0x51: {  	_ =	shalt  }
0x52: {  	_ =	shalt  }
0x53: {  	_ =	shalt  }
0x54: {  	_ =	shalt  }
0x55: {  	_ =	shalt  }
0x56: {  	_ =	shalt  }
0x57: {  	_ =	shalt  }
0x58: {  	_ =	shalt  }
0x59: {  	_ =	shalt  }
0x5a: {  	_ =	shalt  }
0x5b: {  	_ =	shalt  }
0x5c: {  	_ =	shalt  }
0x5d: {  	_ =	shalt  }
0x5e: {  	_ =	shalt  }
0x5f: {  	_ =	shalt  }
0x60: {  	_ =	shalt  }
0x61: {  	_ =	shalt  }
0x62: {  	_ =	shalt  }
0x63: {  	_ =	shalt  }
0x64: {  	_ =	shalt  }
0x65: {  	_ =	shalt  }
0x66: {  	_ =	shalt  }
0x67: {  	_ =	shalt  }
0x68: {  	_ =	shalt  }
0x69: {  	_ =	shalt  }
0x6a: {  	_ =	shalt  }
0x6b: {  	_ =	shalt  }
0x6c: {  	_ =	shalt  }
0x6d: {  	_ =	shalt  }
0x6e: {  	_ =	shalt  }
0x6f: {  	_ =	shalt  }
0x70: {  	_ =	shalt  }
0x71: {  	_ =	shalt  }
0x72: {  	_ =	shalt  }
0x73: {  	_ =	shalt  }
0x74: {  	_ =	shalt  }
0x75: {  	_ =	shalt  }
0x76: {  	_ =	shalt  }
0x77: {  	_ =	shalt  }
0x78: {  	_ =	shalt  }
0x79: {  	_ =	shalt  }
0x7a: {  	_ =	shalt  }
0x7b: {  	_ =	shalt  }
0x7c: {  	_ =	shalt  }
0x7d: {  	_ =	shalt  }
0x7e: {  	_ =	shalt  }
0x7f: {  	_ =	shalt  }
0x80: {  	_ =	shalt  }
0x81: {  	_ =	shalt  }
0x82: {  	_ =	shalt  }
0x83: {  	_ =	shalt  }
0x84: {  	_ =	shalt  }
0x85: {  	_ =	shalt  }
0x86: {  	_ =	shalt  }
0x87: {  	_ =	shalt  }
.Lfunc_end0:
.L_simem_size_0:
called_computation_lowered:
.L_overlay_start_0:
0x88: {  	s2 =	sld [smem:$0x3FD9]  }
0x89: {  	s3 =	sld [smem:$0x3FFE];
	_ =	sdelay $0x1  }
0x8a: {  	s1 =	srdreg.scid  }
0x8b: {  	s0 =	sand.u32 $0x1, s1  }
0x8c: {  	s17 =	sshll.u32 s0, $0xA;
	s2 =	sadd.s32 s3, s2  }
0x8d: {  	s2 =	sadd.s32 s2, s17  }
0x8e: {  	[smem:$0x3FC2] =	sst s2  }
0x8f: {  	_ = 	snop  }
0x90: {  	s2 =	sld [smem:$0x3FC9]  }
0x91: {  	s18 =	sld [smem:$0x3FD0];
	(tm) =	ssettm $0x1  }
0x92: {  	s4 =	sld [smem:$0x3FFB];
	_ =	sdelay $0x3  }
0x93: {  	_ =	strace s4  }
0x94: {  	s4 =	sld [smem:$0x3FFC];
	_ =	sdelay $0x3  }
0x95: {  	_ =	strace s4  }
0x96: {  	s4 =	sld [smem:$0x3FFD];
	_ =	sdelay $0x3  }
0x97: {  	_ =	strace s4  }
0x98: {  	_ =	strace $0x8FFFFFFF  }
0x99: {  	s19 =	sld [smem:$0x3FDB];
	_ =	sdelay $0x1  }
0x9a: {  	s5 =	simm.s32 $_scs_section_size  }
0x9b: {  	s6 =	simm.s32 $_size__tile_overlayer_lowered;
	s7 =	simm.s32 $_tile_overlayer_lowered  }
0x9c: {  	s22 =	simm.s32 $0x1BFF;
	s21 =	sshll.u32 s7, $0x1;
	s4 =	sadd.s32 s5, s19  }
0x9d: {  	s8 =	simm.s32 $0x0;
	s20 =	sshll.u32 s6, $0x1;
	s6 =	sadd.s32 s21, s4  }
0x9e: {  	[timem:s8], [sflag:s22] =	dma.local [hbm:s6], s20  }
0x9f: {  	_ =	swait.ge [sflag:s22], s20  }
0xa0: {  	s5 =	ssub.s32 $0x0, s20;
	[sflag:s22] =	ssyncset.done $0x0  }
0xa1: {  	[sflag:s22] =	ssyncadd.s32 s5;
	_ =	sdelay $0x1  }
0xa2: {  	s23 =	simm.s32 $0x1B8B  }
0xa3: {  	_ =	swait.ge [sflag:s23], $0x1  }
0xa4: {  	[sflag:s23] =	ssyncset.done $0x0  }
0xa5: {  	s25 =	simm.s32 $0x1B8E;
	s24 =	sld [smem:$0x3FFE];
	[sflag:s23] =	ssyncadd.s32 $0xFFFFFFFF  }
0xa6: {  	s26 =	simm.s32 $execute0_lowered;
	[smem:$0x3FD2] =	sst s25  }
0xa7: {  	s6 =	sshll.u32 s26, $0x1;
	_ =	strace $0x80000046;
	[dreg:$0x1] =	wrdreg $0xFFFFFFFF  }
0xa8: {  	s28 =	simm.s32 $_size_execute0_lowered;
	s4 =	sadd.s32 s4, s6;
	[dreg:$0x0] =	wrdreg $0x0  }
0xa9: {  	s6 =	sshll.u32 s28, $0x1;
	[dreg:$0x2] =	wrdreg s4  }
0xaa: {  	[dreg:$0x3] =	wrdreg s6  }
0xab: {  	[dreg:$0x4] =	wrdreg $0xC0  }
0xac: {  	_ =	task [dreg:s8], $0x5FFFF  }
0xad: {  	[dreg:$0x1] =	wrdreg $0xFFFFFFFF  }
0xae: {  	[dreg:$0x0] =	wrdreg $0x60  }
0xaf: {  	[dreg:$0x2] =	wrdreg s2  }
0xb0: {  	[dreg:$0x3] =	wrdreg s24  }
0xb1: {  	[dreg:$0x4] =	wrdreg s18  }
0xb2: {  	[dreg:$0x5] =	wrdreg $0x0  }
0xb3: {  	[dreg:$0x6] =	wrdreg $0x9  }
0xb4: {  	_ =	task.clear_ibuf [dreg:s8], $0x7FFFF;
	_ =	strace $0x90000046  }
0xb5: {  	s29 =	simm.s32 $0x9;
	_ =	strace $0x80000048  }
0xb6: {  	_ =	swait.ge [sflag:s29], $0x1  }
0xb7: {  	[sflag:s29] =	ssyncadd.s32 $0xFFFFFFFF  }
0xb8: {  	_ =	strace $0x90000048  }
0xb9: {  	_ =	sfence  }
0xba: {  	s30 =	sld [smem:$0x0];
	_ =	sdelay $0x2  }
0xbb: {  	s31 =	sshll.u32 s1, $0xD;
	s1 =	sshrl.u32 s1, $0x2  }
0xbc: {  	s3 =	sand.u32 $0x4000, s31;
	s1 =	sadd.s32 s1, s30  }
0xbd: {  	s0 =	sor.u32 s3, s0;
	s1 =	sshll.u32 s1, $0x11  }
0xbe: {  	s0 =	sor.u32 s1, s0  }
0xbf: {  	s0 =	sadd.s32 $0x8F2B, s0  }
0xc0: {  	[sflag:s0] =	ssyncadd.remote.s32 $0x1  }
0xc1: {  	_ =	sfence.sel $0xFFFF  }
0xc2: {  	[dreg:$0x0] =	wrdreg $0xFFFFFFFF;
	(pc) =	sbr.abs _section_cstart, $3  }
0xc3: {  	[dreg:$0x1] =	wrdreg $0xFFFFFFFF  }
0xc4: {  	_ =	task.clear_ibuf [dreg:s8], $0x2FFFF;
	_ =	strace $0x9FFFFFFF  }
0xc5: {  	(tm) =	ssettm $0x7FFFFFFF  }
tec
execute0_lowered:
.L_overlay_start_1:
0x0: {  	(tag) =	ssettag $0x1  }
0x1: {  	s1 =	rddreg [dreg:$0x0];
	s0 =	srdreg.scid  }
0x2: {  	s11 =	stileid.u32;
	s2 =	rddreg [dreg:$0x1]  }
0x3: {  	s5 =	rddreg [dreg:$0x2];
	s8 =	smul.u32 $0x14000, s11  }
0x4: {  	s28 =	simm.s32 $0x7;
	s29 =	simm.s32 $0x16880;
	s16 =	smul.u32 $0x50000, s11  }
0x5: {  	s31 =	simm.s32 $0x1B980;
	s0 =	sand.u32 $0x1, s0;
	s19 =	smul.u32 $0x4E20, s11  }
0x6: {  	s30 =	simm.s32 $0x3;
	s3 =	sshll.u32 s11, $0x1;
	s7 =	smul.u32 $0x140000, s0  }
0x7: {  	s4 =	sor.u32 s0, s3;
	s14 =	ssub.s32 $0x2, s0;
	s0 =	smul.u32 $0x2710, s0  }
0x8: {  	s10 =	sadd.s32 $0xAC00, s2;
	s3 =	rddreg [dreg:$0x3];
	s6 =	smul.u32 $0x2710, s4  }
0x9: {  	s4 =	simm.s32 $0x0;
	s15 =	sshrl.u32 s14, $0x1;
	s21 =	sshrl.u32 s16, $0x2  }
0xa: {  	[smem:$0x7FF] =	sst s4;
	s7 =	sadd.s32 s8, s7;
	s8 =	ssub.s32 s14, s15  }
0xb: {  	s0 =	sadd.s32 s0, s19;
	s19 =	simm.s32 $0xA;
	_ =	strace $0x80000047  }
0xc: {  	s6 =	sshrl.u32 s6, $0x3;
	[dreg:$0x5] =	wrdreg s10;
	s7 =	sshrl.u32 s7, $0x3  }
0xd: {  	s22 =	smax.u32 s8, $0x1;
	s26 =	sadd.s32 $0x230, s0;
	s8 =	simm.s32 $0x6  }
0xe: {  	s9 =	sadd.s32 s6, s2;
	s18 =	sadd.s32 s5, s6;
	[dreg:$0xb] =	wrdreg s22  }
0xf: {  	s2 =	sadd.s32 s7, s2;
	s17 =	sadd.s32 $0xE00, s9;
	[dreg:$0x7] =	wrdreg s18  }
0x10: {  	s6 =	sadd.s32 $0x1E0, s0;
	s20 =	sadd.s32 $0xA, s18;
	[dreg:$0x6] =	wrdreg s17  }
0x11: {  	s0 =	sadd.s32 $0x190, s0;
	s9 =	sadd.s32 s21, s3;
	[dreg:$0x8] =	wrdreg s20  }
0x12: {  	s22 =	simm.s32 $0x16980;
	s2 =	sadd.s32 $0xD400, s2;
	[dreg:$0x9] =	wrdreg s9  }
0x13: {  	s23 =	sadd.s32 $0x14, s18;
	s24 =	sadd.s32 $0x1E, s18;
	[dreg:$0xa] =	wrdreg s2  }
0x14: {  	s25 =	sadd.s32 $0x28, s18;
	s6 =	sshrl.u32 s6, $0x3;
	[dreg:$0xc] =	wrdreg s23  }
0x15: {  	s0 =	sshrl.u32 s0, $0x3;
	s21 =	simm.s32 $0x50;
	[dreg:$0xd] =	wrdreg s24  }
0x16: {  	[dreg:$0xe] =	wrdreg s25;
	s2 =	sshrl.u32 s26, $0x3;
	s16 =	sadd.s32 s6, s5  }
0x17: {  	s17 =	sadd.s32 s0, s5;
	s20 =	simm.s32 $0x16780;
	s23 =	simm.s32 $0x16800  }
0x18: {  	s25 =	simm.s32 $0x19180;
	s26 =	simm.s32 $0x1;
	s0 =	simm.s32 $0x8  }
0x19: {  	s24 =	simm.s32 $0x4;
	s6 =	simm.s32 $0x5;
	s9 =	simm.s32 $0x0  }
0x1a: {  	s15 =	sadd.s32 s2, s5;
	s2 =	simm.s32 $0x2;
	s5 =	simm.s32 $0x9  }
.LBB2_1:
0x1b: {  	s7 =	rddreg [dreg:$0x6];
	s10 =	simm.s32 $0x14000  }
0x1c: {  	[tilespmem:s10], [sflag:$0xA] =	stream.linear.gather [hbm4b:s7+s4], $0x2710, $0x38;
	[tilespmem:$0x1E180] =	vst v63  }
0x1d: {  	_ =	swait.ge [sflag:s19], $0x2710  }
0x1e: {  	[sflag:s19] =	ssyncset.done $0x0  }
0x1f: {  	s13 =	rddreg [dreg:$0x7];
	[sflag:s19] =	ssyncadd.s32 $0xFFFFD8F0  }
0x20: {  	[tilespmem:s20], [sflag:$0x7] =	stream.linear.gather [hbm4b:s13+s4], $0x50, $0x38;
	[tilespmem:$0x1E180] =	vst v63  }
0x21: {  	_ = 	snop  }
0x22: {  	[tilespmem:s22], [sflag:$0x1] =	stream.indirect.gather [hbm4b:s1+s21], $0x80, s10, s21, $0xb8;
	[tilespmem:$0x1E180] =	vst v63  }
0x23: {  	s14 =	rddreg [dreg:$0x8];
	s10 =	stileid.u32  }
0x24: {  	s18 =	simm.s32 $0x14050;
	s12 =	rddreg [dreg:$0x9];
	s11 =	sshll.u32 s10, $0x6  }
0x25: {  	[tilespmem:s23], [sflag:$0x8] =	stream.linear.gather [hbm4b:s14+s4], $0x50, $0x38;
	[tilespmem:$0x1E180] =	vst v63  }
0x26: {  	s13 =	rddreg [dreg:$0x5];
	s10 =	sor.u32 $0x1C0A, s11;
	s11 =	sshrl.u32 s12, $0x3  }
0x27: {  	[tilespmem:s25], [sflag:$0x2] =	stream.indirect.gather [hbm4b:s1+s21], $0x80, s18, s21, $0xb8;
	[tilespmem:$0x1E180] =	vst v63  }
0x28: {  	[spmem:s11], [sflag:s10] =	dma.local [hbm:s13], $0x2800  }
0x29: {  	_ =	swait.ge [sflag:s19], $0x2800  }
0x2a: {  	[sflag:s19] =	ssyncset.done $0x0  }
0x2b: {  	[sflag:s19] =	ssyncadd.s32 $0xFFFFD800  }
0x2c: {  	[bflag:$0x0] =	sbarrier.arrive $0xFFFF  }
0x2d: {  	_ =	swait.ge [sflag:s26], $0x2800  }
0x2e: {  	[sflag:s26] =	ssyncset.done $0x0  }
0x2f: {  	[sflag:s26] =	ssyncadd.s32 $0xFFFFD800  }
0x30: {  	_ =	swait.ge [sflag:s28], $0x50  }
0x31: {  	[sflag:s28] =	ssyncset.done $0x0  }
0x32: {  	[sflag:s28] =	ssyncadd.s32 $0xFFFFFFB0  }
0x33: {  	[spmem:s3] =	stream.indirect.scatter.add.f32 [tilespmem:s22], [sflag:$0x4], $0x80, s20, s21, $0xb8;
	[tilespmem:$0x1E180] =	vst v63  }
0x34: {  	s14 =	rddreg [dreg:$0xc]  }
0x35: {  	[tilespmem:s29], [sflag:$0x9] =	stream.linear.gather [hbm4b:s14+s4], $0x50, $0x38;
	[tilespmem:$0x1E180] =	vst v63  }
0x36: {  	s18 =	simm.s32 $0x140A0  }
0x37: {  	[tilespmem:s31], [sflag:$0x3] =	stream.indirect.gather [hbm4b:s1+s21], $0x80, s18, s21, $0xb8;
	[tilespmem:$0x1E180] =	vst v63  }
0x38: {  	_ =	swait.ge [sflag:s2], $0x2800  }
0x39: {  	[sflag:s2] =	ssyncset.done $0x0  }
0x3a: {  	[sflag:s2] =	ssyncadd.s32 $0xFFFFD800  }
0x3b: {  	_ =	swait.ge [sflag:s0], $0x50  }
0x3c: {  	[sflag:s0] =	ssyncset.done $0x0  }
0x3d: {  	[sflag:s0] =	ssyncadd.s32 $0xFFFFFFB0  }
0x3e: {  	[spmem:s3] =	stream.indirect.scatter.add.f32 [tilespmem:s25], [sflag:$0x5], $0x80, s23, s21, $0xb8;
	[tilespmem:$0x1E180] =	vst v63  }
0x3f: {  	_ =	swait.ge [sflag:s24], $0x2800  }
0x40: {  	[sflag:s24] =	ssyncset.done $0x0  }
0x41: {  	s12 =	rddreg [dreg:$0xd];
	[sflag:s24] =	ssyncadd.s32 $0xFFFFD800  }
0x42: {  	[tilespmem:s20], [sflag:$0x7] =	stream.linear.gather [hbm4b:s12+s4], $0x50, $0x38;
	[tilespmem:$0x1E180] =	vst v63  }
0x43: {  	s13 =	simm.s32 $0x140F0  }
0x44: {  	[tilespmem:s22], [sflag:$0x1] =	stream.indirect.gather [hbm4b:s1+s21], $0x80, s13, s21, $0xb8;
	[tilespmem:$0x1E180] =	vst v63  }
0x45: {  	_ =	swait.ge [sflag:s30], $0x2800  }
0x46: {  	[sflag:s30] =	ssyncset.done $0x0  }
0x47: {  	[sflag:s30] =	ssyncadd.s32 $0xFFFFD800  }
0x48: {  	_ =	swait.ge [sflag:s5], $0x50  }
0x49: {  	[sflag:s5] =	ssyncset.done $0x0  }
0x4a: {  	[sflag:s5] =	ssyncadd.s32 $0xFFFFFFB0  }
0x4b: {  	[spmem:s3] =	stream.indirect.scatter.add.f32 [tilespmem:s31], [sflag:$0x6], $0x80, s29, s21, $0xb8;
	[tilespmem:$0x1E180] =	vst v63  }
0x4c: {  	_ =	swait.ge [sflag:s6], $0x2800  }
0x4d: {  	[sflag:s6] =	ssyncset.done $0x0  }
0x4e: {  	s14 =	rddreg [dreg:$0xe];
	[sflag:s6] =	ssyncadd.s32 $0xFFFFD800  }
0x4f: {  	[tilespmem:s23], [sflag:$0x8] =	stream.linear.gather [hbm4b:s14+s4], $0x50, $0x38;
	[tilespmem:$0x1E180] =	vst v63  }
0x50: {  	s18 =	simm.s32 $0x14140  }
0x51: {  	[tilespmem:s25], [sflag:$0x2] =	stream.indirect.gather [hbm4b:s1+s21], $0x80, s18, s21, $0xb8;
	[tilespmem:$0x1E180] =	vst v63  }
0x52: {  	_ =	swait.ge [sflag:s26], $0x2800  }
0x53: {  	[sflag:s26] =	ssyncset.done $0x0  }
0x54: {  	[sflag:s26] =	ssyncadd.s32 $0xFFFFD800  }
0x55: {  	_ =	swait.ge [sflag:s28], $0x50  }
0x56: {  	[sflag:s28] =	ssyncset.done $0x0  }
0x57: {  	[sflag:s28] =	ssyncadd.s32 $0xFFFFFFB0  }
0x58: {  	[spmem:s3] =	stream.indirect.scatter.add.f32 [tilespmem:s22], [sflag:$0x4], $0x80, s20, s21, $0xb8;
	[tilespmem:$0x1E180] =	vst v63  }
0x59: {  	_ =	swait.ge [sflag:s8], $0x2800  }
0x5a: {  	[sflag:s8] =	ssyncset.done $0x0  }
0x5b: {  	s12 =	sadd.s32 $0x0, s17;
	[sflag:s8] =	ssyncadd.s32 $0xFFFFD800  }
0x5c: {  	[tilespmem:s29], [sflag:$0x9] =	stream.linear.gather [hbm4b:s12+s4], $0x50, $0x38;
	[tilespmem:$0x1E180] =	vst v63  }
0x5d: {  	s7 =	simm.s32 $0x14190  }
0x5e: {  	[tilespmem:s31], [sflag:$0x3] =	stream.indirect.gather [hbm4b:s1+s21], $0x80, s7, s21, $0xb8;
	[tilespmem:$0x1E180] =	vst v63  }
0x5f: {  	_ =	swait.ge [sflag:s2], $0x2800  }
0x60: {  	[sflag:s2] =	ssyncset.done $0x0  }
0x61: {  	[sflag:s2] =	ssyncadd.s32 $0xFFFFD800  }
0x62: {  	_ =	swait.ge [sflag:s0], $0x50  }
0x63: {  	[sflag:s0] =	ssyncset.done $0x0  }
0x64: {  	[sflag:s0] =	ssyncadd.s32 $0xFFFFFFB0  }
0x65: {  	[spmem:s3] =	stream.indirect.scatter.add.f32 [tilespmem:s25], [sflag:$0x5], $0x80, s23, s21, $0xb8;
	[tilespmem:$0x1E180] =	vst v63  }
0x66: {  	_ =	swait.ge [sflag:s24], $0x2800  }
0x67: {  	[sflag:s24] =	ssyncset.done $0x0  }
0x68: {  	s13 =	sadd.s32 $0x0, s16;
	[sflag:s24] =	ssyncadd.s32 $0xFFFFD800  }
0x69: {  	[tilespmem:s20], [sflag:$0x7] =	stream.linear.gather [hbm4b:s13+s4], $0x50, $0x38;
	[tilespmem:$0x1E180] =	vst v63  }
0x6a: {  	s14 =	simm.s32 $0x141E0  }
0x6b: {  	[tilespmem:s22], [sflag:$0x1] =	stream.indirect.gather [hbm4b:s1+s21], $0x80, s14, s21, $0xb8;
	[tilespmem:$0x1E180] =	vst v63  }
0x6c: {  	_ =	swait.ge [sflag:s30], $0x2800  }
0x6d: {  	[sflag:s30] =	ssyncset.done $0x0  }
0x6e: {  	[sflag:s30] =	ssyncadd.s32 $0xFFFFD800  }
0x6f: {  	_ =	swait.ge [sflag:s5], $0x50  }
0x70: {  	[sflag:s5] =	ssyncset.done $0x0  }
0x71: {  	[sflag:s5] =	ssyncadd.s32 $0xFFFFFFB0  }
0x72: {  	[spmem:s3] =	stream.indirect.scatter.add.f32 [tilespmem:s31], [sflag:$0x6], $0x80, s29, s21, $0xb8;
	[tilespmem:$0x1E180] =	vst v63  }
0x73: {  	_ =	swait.ge [sflag:s6], $0x2800  }
0x74: {  	s18 =	sadd.s32 $0x0, s15;
	s12 =	simm.s32 $0x14230;
	[sflag:s6] =	ssyncset.done $0x0  }
0x75: {  	s13 =	simm.s32 $0x1E;
	s14 =	simm.s32 $0x14320;
	[sflag:s6] =	ssyncadd.s32 $0xFFFFD800  }
0x76: {  	[tilespmem:s23], [sflag:$0x8] =	stream.linear.gather [hbm4b:s18+s4], $0x50, $0x38;
	[tilespmem:$0x1E180] =	vst v63  }
.LBB2_2:
0x77: {  	[tilespmem:s25], [sflag:$0x2] =	stream.indirect.gather [hbm4b:s1+s21], $0x80, s12, s21, $0xb8;
	[tilespmem:$0x1E180] =	vst v63  }
0x78: {  	s18 =	smov.u32 s13;
	s12 =	smov.u32 s14  }
0x79: {  	p0 =	sne.s32 s13, $0x492;
	s13 =	sadd.s32 $0x1E, s13;
	_ =	swait.ge [sflag:s26], $0x2800  }
0x7a: {  	[sflag:s26] =	ssyncset.done $0x0  }
0x7b: {  	[sflag:s26] =	ssyncadd.s32 $0xFFFFD800  }
0x7c: {  	_ =	swait.ge [sflag:s28], $0x50  }
0x7d: {  	[sflag:s28] =	ssyncset.done $0x0  }
0x7e: {  	[sflag:s28] =	ssyncadd.s32 $0xFFFFFFB0  }
0x7f: {  	[spmem:s3] =	stream.indirect.scatter.add.f32 [tilespmem:s22], [sflag:$0x4], $0x80, s20, s21, $0xb8;
	[tilespmem:$0x1E180] =	vst v63  }
0x80: {  	_ =	swait.ge [sflag:s8], $0x2800  }
0x81: {  	[sflag:s8] =	ssyncset.done $0x0  }
0x82: {  	s7 =	sadd.s32 s18, s17;
	[sflag:s8] =	ssyncadd.s32 $0xFFFFD800  }
0x83: {  	[tilespmem:s29], [sflag:$0x9] =	stream.linear.gather [hbm4b:s7+s4], $0x50, $0x38;
	[tilespmem:$0x1E180] =	vst v63  }
0x84: {  	s7 =	sadd.s32 $0xFFFFFF60, s14  }
0x85: {  	[tilespmem:s31], [sflag:$0x3] =	stream.indirect.gather [hbm4b:s1+s21], $0x80, s7, s21, $0xb8;
	[tilespmem:$0x1E180] =	vst v63  }
0x86: {  	_ =	swait.ge [sflag:s2], $0x2800  }
0x87: {  	[sflag:s2] =	ssyncset.done $0x0  }
0x88: {  	[sflag:s2] =	ssyncadd.s32 $0xFFFFD800  }
0x89: {  	_ =	swait.ge [sflag:s0], $0x50  }
0x8a: {  	[sflag:s0] =	ssyncset.done $0x0  }
0x8b: {  	[sflag:s0] =	ssyncadd.s32 $0xFFFFFFB0  }
0x8c: {  	[spmem:s3] =	stream.indirect.scatter.add.f32 [tilespmem:s25], [sflag:$0x5], $0x80, s23, s21, $0xb8;
	[tilespmem:$0x1E180] =	vst v63  }
0x8d: {  	_ =	swait.ge [sflag:s24], $0x2800  }
0x8e: {  	[sflag:s24] =	ssyncset.done $0x0  }
0x8f: {  	s7 =	sadd.s32 s18, s16;
	[sflag:s24] =	ssyncadd.s32 $0xFFFFD800  }
0x90: {  	[tilespmem:s20], [sflag:$0x7] =	stream.linear.gather [hbm4b:s7+s4], $0x50, $0x38;
	[tilespmem:$0x1E180] =	vst v63  }
0x91: {  	s7 =	sadd.s32 $0xFFFFFFB0, s14  }
0x92: {  	[tilespmem:s22], [sflag:$0x1] =	stream.indirect.gather [hbm4b:s1+s21], $0x80, s7, s21, $0xb8;
	[tilespmem:$0x1E180] =	vst v63  }
0x93: {  	_ =	swait.ge [sflag:s30], $0x2800  }
0x94: {  	[sflag:s30] =	ssyncset.done $0x0  }
0x95: {  	[sflag:s30] =	ssyncadd.s32 $0xFFFFD800  }
0x96: {  	_ =	swait.ge [sflag:s5], $0x50  }
0x97: {  	[sflag:s5] =	ssyncset.done $0x0  }
0x98: {  	[sflag:s5] =	ssyncadd.s32 $0xFFFFFFB0  }
0x99: {  	[spmem:s3] =	stream.indirect.scatter.add.f32 [tilespmem:s31], [sflag:$0x6], $0x80, s29, s21, $0xb8;
	[tilespmem:$0x1E180] =	vst v63  }
.Ltmp0:
0x9a: {  	_ =	swait.ge [sflag:s6], $0x2800;
	(pc) =	sbr.rel @p0 .LBB2_2-.Ltmp0, $4  }
0x9b: {  	[sflag:s6] =	ssyncset.done $0x0  }
0x9c: {  	s7 =	sadd.s32 s18, s15;
	[sflag:s6] =	ssyncadd.s32 $0xFFFFD800  }
0x9d: {  	[tilespmem:s23], [sflag:$0x8] =	stream.linear.gather [hbm4b:s7+s4], $0x50, $0x38;
	[tilespmem:$0x1E180] =	vst v63  }
0x9e: {  	s14 =	sadd.s32 $0xF0, s14  }
0x9f: {  	[tilespmem:s25], [sflag:$0x2] =	stream.indirect.gather [hbm4b:s1+s21], $0x80, s12, s21, $0xb8;
	[tilespmem:$0x1E180] =	vst v63  }
0xa0: {  	_ =	swait.ge [sflag:s26], $0x2800  }
0xa1: {  	[sflag:s26] =	ssyncset.done $0x0  }
0xa2: {  	[sflag:s26] =	ssyncadd.s32 $0xFFFFD800  }
0xa3: {  	_ =	swait.ge [sflag:s28], $0x50  }
0xa4: {  	[sflag:s28] =	ssyncset.done $0x0  }
0xa5: {  	[sflag:s28] =	ssyncadd.s32 $0xFFFFFFB0  }
0xa6: {  	[spmem:s3] =	stream.indirect.scatter.add.f32 [tilespmem:s22], [sflag:$0x4], $0x80, s20, s21, $0xb8;
	[tilespmem:$0x1E180] =	vst v63  }
0xa7: {  	_ =	swait.ge [sflag:s8], $0x2800  }
0xa8: {  	[sflag:s8] =	ssyncset.done $0x0  }
0xa9: {  	[sflag:s8] =	ssyncadd.s32 $0xFFFFD800  }
0xaa: {  	_ =	swait.ge [sflag:s2], $0x2800  }
0xab: {  	[sflag:s2] =	ssyncset.done $0x0  }
0xac: {  	[sflag:s2] =	ssyncadd.s32 $0xFFFFD800  }
0xad: {  	_ =	swait.ge [sflag:s0], $0x50  }
0xae: {  	[sflag:s0] =	ssyncset.done $0x0  }
0xaf: {  	[sflag:s0] =	ssyncadd.s32 $0xFFFFFFB0  }
0xb0: {  	[spmem:s3] =	stream.indirect.scatter.add.f32 [tilespmem:s25], [sflag:$0x5], $0x80, s23, s21, $0xb8;
	[tilespmem:$0x1E180] =	vst v63  }
0xb1: {  	_ =	swait.ge [sflag:s24], $0x2800  }
0xb2: {  	[sflag:s24] =	ssyncset.done $0x0  }
0xb3: {  	[sflag:s24] =	ssyncadd.s32 $0xFFFFD800  }
0xb4: {  	_ =	swait.ge [sflag:s6], $0x2800  }
0xb5: {  	[sflag:s6] =	ssyncset.done $0x0  }
0xb6: {  	[sflag:s6] =	ssyncadd.s32 $0xFFFFD800  }
0xb7: {  	[bflag:$0x0] =	sbarrier.arrive $0xFFFF  }
0xb8: {  	s7 =	rddreg [dreg:$0xa]  }
0xb9: {  	[hbm:s7], [sflag:s10] =	dma.local [spmem:s11], $0x2800  }
0xba: {  	_ =	swait.ge [sflag:s19], $0x2800  }
0xbb: {  	s9 =	sadd.s32 $0x1, s9;
	s18 =	rddreg [dreg:$0xb]  }
0xbc: {  	p0 =	sne.s32 s9, s18  }
.Ltmp1:
0xbd: {  	_ = 	snop;
	(pc) =	sbr.rel @p0 .LBB2_1-.Ltmp1, $3  }
0xbe: {  	_ =	sdelay $0x1  }
0xbf: {  	[sflag:s19] =	ssyncset.done $0x0  }
0xc0: {  	[sflag:s19] =	ssyncadd.s32 $0xFFFFD800  }
0xc1: {  	_ =	sfence.sel $0x180000  }
0xc2: {  	[bflag:$0x0] =	sbarrier.arrive $0xFFFF  }
0xc3: {  	_ =	strace $0x90000047  }
0xc4: {  	s0 =	stileid.u32;
	[bflag:$0x2] =	sbarrier.arrive $0xFFFF  }
0xc5: {  	p0 =	sne.s32 s0, $0x0;
	s0 =	rddreg [dreg:$0x4]  }
0xc6: {  	s0 =	sadd.s32 @!p0 $0x100000, s0  }
0xc7: {  	[sflag:s0] =	ssyncadd.tile.s32 @!p0 $0x1;
	_ =	shalt  }
.Lfunc_end2:
_tile_overlayer_lowered:
.L_overlay_start_2:
0xc8: {  	(tag) =	ssettag $0x2  }
0xc9: {  	s0 =	rddreg [dreg:$0x0];
	s2 =	stileid.u32  }
0xca: {  	s1 =	rddreg [dreg:$0x1];
	p0 =	sne.s32 s2, $0x0  }
0xcb: {  	s3 =	rddreg [dreg:$0x2];
	[bflag:$0x3] =	sbarrier.arrive $0xFFFF;
	s2 =	simm.s32 @!p0 $0x1C0A  }
0xcc: {  	[timem:s3], [sflag:s2] =	dma.local @!p0 [hbm:s0], s1  }
0xcd: {  	s0 =	simm.s32 @!p0 $0xA  }
0xce: {  	_ =	swait.ge @!p0 [sflag:s0], s1  }
0xcf: {  	s1 =	ssub.s32 @!p0 $0x0, s1;
	[sflag:s0] =	ssyncset.done @!p0 $0x0  }
0xd0: {  	[sflag:s0] =	ssyncadd.s32 @!p0 s1  }
0xd1: {  	[bflag:$0x3] =	sbarrier.arrive $0xFFFF  }
0xd2: {  	_ =	shalt  }

</sc_bundles>
